<compile_context>
chip_gen: v7x
topology: tpu7x:2x2x1
jax: 0.10.2.dev20260603
libtpu: 0.0.44.dev20260713+nightly
codegen_flags: <defaults>
</compile_context>

<pallas_src>
import functools

import jax
import jax.numpy as jnp
from jax.experimental import pallas as pl
from jax.experimental.pallas import tpu as pltpu
from jax.experimental.pallas import tpu_sc as plsc

DIM = 768
NUM_EXPERTS = 64
CAPACITY_FACTOR = 1.0
EPSILON = 1e-06

BM = 4096
NC = 2
NS = 16


def _stage_a(x_ref, w_ref, b_ref, score_ref, amax_ref, denom_ref):
    j = pl.program_id(0)
    xb = x_ref[0]
    logits = jax.lax.dot_general(
        w_ref[...], xb,
        (((1,), (1,)), ((), ())),
        preferred_element_type=jnp.float32,
    ) + b_ref[...]
    m = jnp.max(logits, axis=0, keepdims=True)
    idx = jax.lax.broadcasted_iota(jnp.int32, logits.shape, 0)
    a = jnp.min(jnp.where(logits == m, idx, NUM_EXPERTS), axis=0)
    s = jnp.sum(jnp.exp(logits - m), axis=0)
    score = 1.0 / s
    score_ref[0, 0, :] = score
    amax_ref[0, 0, :] = a
    onehot = (idx == a[None, :]).astype(jnp.float32)
    contrib = jax.lax.dot_general(
        onehot * score[None, :], jnp.ones((BM, 1), jnp.float32),
        (((1,), (0,)), ((), ())),
        preferred_element_type=jnp.float32,
    )

    @pl.when(j == 0)
    def _():
        denom_ref[...] = jnp.zeros_like(denom_ref)

    denom_ref[...] += contrib


def _make_sc_expand(batch, n_tok):
    rows = batch * n_tok
    rpt = rows // (NC * NS)
    tiles_per_b = n_tok // rpt
    slab = NUM_EXPERTS * rpt
    cap = float(rows * CAPACITY_FACTOR)

    def body(score_hbm, amax_hbm, denom_hbm, out_ref,
             score_v, amax_v, denom_v, inv_v, buf, sem):
        wid = jax.lax.axis_index("s") * NC + jax.lax.axis_index("c")
        base = wid * rpt
        bidx = wid // tiles_per_b
        n0 = (wid % tiles_per_b) * rpt
        pltpu.sync_copy(score_hbm.at[pl.ds(base, rpt)], score_v)
        pltpu.sync_copy(amax_hbm.at[pl.ds(base, rpt)], amax_v)
        pltpu.sync_copy(denom_hbm, denom_v)
        for t in range(NUM_EXPERTS // 16):
            d = denom_v[pl.ds(t * 16, 16)]
            inv_v[pl.ds(t * 16, 16)] = cap / (d + EPSILON)

        zeros16 = jnp.zeros((16,), jnp.float32)

        def zb(e, carry):
            for u in range(rpt // 16):
                buf[e, pl.ds(u * 16, 16)] = zeros16
            return carry

        jax.lax.fori_loop(0, NUM_EXPERTS, zb, 0)

        iota16 = jax.lax.iota(jnp.int32, 16)
        for g in range(rpt // 16):
            rb = g * 16
            a16 = amax_v[pl.ds(rb, 16)]
            v16 = score_v[pl.ds(rb, 16)] * plsc.load_gather(inv_v, [a16])
            plsc.store_scatter(buf, [a16, rb + iota16], v16)

        pltpu.async_copy(
            buf, out_ref.at[bidx, :, pl.ds(n0, rpt)], sem
        ).wait()

    return functools.partial(
        pl.kernel,
        mesh=plsc.VectorSubcoreMesh(core_axis_name="c", subcore_axis_name="s"),
        compiler_params=pltpu.CompilerParams(needs_layout_passes=False),
        out_type=jax.ShapeDtypeStruct((batch, NUM_EXPERTS, n_tok), jnp.float32),
        scratch_types=[
            pltpu.VMEM((rpt,), jnp.float32),
            pltpu.VMEM((rpt,), jnp.int32),
            pltpu.VMEM((NUM_EXPERTS,), jnp.float32),
            pltpu.VMEM((NUM_EXPERTS,), jnp.float32),
            pltpu.VMEM((NUM_EXPERTS, rpt), jnp.float32),
            pltpu.SemaphoreType.DMA,
        ],
    )(body)


def kernel(x, W, b):
    batch, N, dim = x.shape
    rows = batch * N
    nb = rows // BM
    per_batch = N // BM
    b2 = b.reshape(NUM_EXPERTS, 1)

    score, amax, denom = pl.pallas_call(
        _stage_a,
        grid=(nb,),
        in_specs=[
            pl.BlockSpec((1, BM, dim), lambda j: (j // per_batch, j % per_batch, 0)),
            pl.BlockSpec((NUM_EXPERTS, dim), lambda j: (0, 0)),
            pl.BlockSpec((NUM_EXPERTS, 1), lambda j: (0, 0)),
        ],
        out_specs=[
            pl.BlockSpec((1, 1, BM), lambda j: (j, 0, 0)),
            pl.BlockSpec((1, 1, BM), lambda j: (j, 0, 0)),
            pl.BlockSpec((NUM_EXPERTS, 1), lambda j: (0, 0)),
        ],
        out_shape=[
            jax.ShapeDtypeStruct((nb, 1, BM), jnp.float32),
            jax.ShapeDtypeStruct((nb, 1, BM), jnp.int32),
            jax.ShapeDtypeStruct((NUM_EXPERTS, 1), jnp.float32),
        ],
    )(x, W, b2)

    expand = _make_sc_expand(batch, N)
    out_t = expand(score.reshape(rows), amax.reshape(rows),
                   denom.reshape(NUM_EXPERTS))
    return jnp.transpose(out_t, (0, 2, 1))

# --- scband reference (transcript-rebuilt; emitter-appended) ---
"""Pipeline reference for scband-switch-gate-89824946028711 (READ-ONLY COPY).

The authoritative reference and input builder live on the scoring server;
editing this copy changes nothing except your own understanding.
"""

import jax, jax.numpy as jnp
import numpy as np

DIM = 768
NUM_EXPERTS = 64
CAPACITY_FACTOR = 1.0
EPSILON = 1e-06


def setup_inputs(seed: int = 0) -> dict:
    key = jax.random.key(seed)
    k1, k2 = jax.random.split(key, 2)
    x = jax.random.normal(k1, (4, 8192, DIM), dtype=jnp.float32)
    # nn.Linear(dim, num_experts): weight [num_experts, dim], bias [num_experts]
    bound = 1.0 / np.sqrt(DIM)
    W = jax.random.uniform(k2, (NUM_EXPERTS, DIM), dtype=jnp.float32, minval=-bound, maxval=bound)
    b = jnp.zeros((NUM_EXPERTS,), dtype=jnp.float32)
    return {"x": x, "W": W, "b": b}


def reference(x, W, b):
    batch, N, dim = x.shape
    xf = x.reshape(batch * N, dim)
    logits = xf @ W.T + b
    gate_scores = jax.nn.softmax(logits, axis=-1)
    capacity = int(CAPACITY_FACTOR * xf.shape[0])
    top_k_scores, top_k_indices = jax.lax.top_k(gate_scores, 1)
    rows = jnp.arange(gate_scores.shape[0])[:, None]
    # scatter-overwrite: mask = zeros.scatter_(1, top_k_indices, 1)
    mask = jnp.zeros_like(gate_scores).at[rows, top_k_indices].set(1.0)
    masked_gate_scores = gate_scores * mask
    denominators = masked_gate_scores.sum(axis=0, keepdims=True) + EPSILON
    gate_out = masked_gate_scores / denominators * capacity
    gate_out = gate_out.reshape(batch, N, -1)
    return gate_out

if __name__ == "__main__":
    import jax
    _d = setup_inputs()
    print(jax.jit(kernel)(*tuple(_d.values())))

</pallas_src>

<mosaic_0001>
#map = affine_map<(d0, d1) -> (0)>
#map1 = affine_map<(d0, d1) -> (0, 0, 0)>
module attributes {stable_mosaic.version = 14 : i64} {
  func.func @body(%arg0: i32, %arg1: i32, %arg2: memref<32768xf32, #tpu.memory_space<hbm>>, %arg3: memref<32768xi32, #tpu.memory_space<hbm>>, %arg4: memref<64xf32, #tpu.memory_space<hbm>>, %arg5: memref<4x64x8192xf32, #tpu.memory_space<hbm>>, %arg6: memref<1024xf32, #tpu.memory_space<vmem>>, %arg7: memref<1024xi32, #tpu.memory_space<vmem>>, %arg8: memref<64xf32, #tpu.memory_space<vmem>>, %arg9: memref<64xf32, #tpu.memory_space<vmem>>, %arg10: memref<64x1024xf32, #tpu.memory_space<vmem>>, %arg11: memref<!tpu.dma_semaphore, #tpu.memory_space<semaphore_mem>>) attributes {dimension_semantics = [#tpu.dimension_semantics<core_parallel>, #tpu.dimension_semantics<subcore_parallel>], iteration_bounds = array<i64: 2, 16>, scalar_prefetch = 0 : i64, scratch_operands = 6 : i64, tpu.core_type = #tpu.core_type<sc_vector_subcore>, window_params = [{transform_indices = #map}, {transform_indices = #map}, {transform_indices = #map}, {transform_indices = #map1}]} {
    %mul3A = arith.constant 2 : i32
    %mul3A_0 = arith.muli %arg1, %mul3A : i32
    %add3A = arith.addi %mul3A_0, %arg0 : i32
    %mul3A_1 = arith.constant 1024 : i32
    %mul3A_2 = arith.muli %add3A, %mul3A_1 : i32
    %jit3A = arith.constant 8 : i32
    %div3A = arith.divsi %add3A, %jit3A : i32
    %sign3A = arith.constant 0 : i32
    %sign3A_3 = arith.cmpi sgt, %add3A, %sign3A : i32
    %sign3A_4 = arith.extui %sign3A_3 : i1 to i32
    %sign3A_5 = arith.constant 0 : i32
    %sign3A_6 = arith.cmpi slt, %add3A, %sign3A_5 : i32
    %sign3A_7 = arith.extui %sign3A_6 : i1 to i32
    %sign3A_8 = arith.subi %sign3A_4, %sign3A_7 : i32
    %sign3A_9 = arith.constant 0 : i32
    %sign3A_10 = arith.cmpi sgt, %jit3A, %sign3A_9 : i32
    %sign3A_11 = arith.extui %sign3A_10 : i1 to i32
    %sign3A_12 = arith.constant 0 : i32
    %sign3A_13 = arith.cmpi slt, %jit3A, %sign3A_12 : i32
    %sign3A_14 = arith.extui %sign3A_13 : i1 to i32
    %sign3A_15 = arith.subi %sign3A_11, %sign3A_14 : i32
    %ne3A = arith.cmpi ne, %sign3A_8, %sign3A_15 : i32
    %rem3A = arith.remsi %add3A, %jit3A : i32
    %ne3A_16 = arith.constant 0 : i32
    %ne3A_17 = arith.cmpi ne, %rem3A, %ne3A_16 : i32
    %and3A = arith.andi %ne3A, %ne3A_17 : i1
    %sub3A = arith.constant 1 : i32
    %sub3A_18 = arith.subi %div3A, %sub3A : i32
    %select_n3A = arith.select %and3A, %sub3A_18, %div3A : i32
    %jit3A_19 = arith.constant 8 : i32
    %eq3A = arith.constant 0 : i32
    %eq3A_20 = arith.cmpi eq, %jit3A_19, %eq3A : i32
    %jit3A_21 = arith.constant 1 : i32
    %select_n3A_22 = arith.select %eq3A_20, %jit3A_21, %jit3A_19 : i32
    %rem3A_23 = arith.remsi %add3A, %select_n3A_22 : i32
    %ne3A_24 = arith.constant 0 : i32
    %ne3A_25 = arith.cmpi ne, %rem3A_23, %ne3A_24 : i32
    %lt3A = arith.constant 0 : i32
    %lt3A_26 = arith.cmpi slt, %rem3A_23, %lt3A : i32
    %lt3A_27 = arith.constant 0 : i32
    %lt3A_28 = arith.cmpi slt, %select_n3A_22, %lt3A_27 : i32
    %ne3A_29 = arith.xori %lt3A_26, %lt3A_28 : i1
    %and3A_30 = arith.andi %ne3A_29, %ne3A_25 : i1
    %add3A_31 = arith.addi %rem3A_23, %select_n3A_22 : i32
    %select_n3A_32 = arith.select %and3A_30, %add3A_31, %rem3A_23 : i32
    %mul3A_33 = arith.constant 1024 : i32
    %mul3A_34 = arith.muli %select_n3A_32, %mul3A_33 : i32
    "tpu.region"() ({
      %run_scoped3A = tpu.sem_alloc : memref<!tpu.dma_semaphore, #tpu.memory_space<semaphore_mem>>
      %dma_start3A_664 = tpu.memref_slice %arg2[%mul3A_2] : memref<32768xf32, #tpu.memory_space<hbm>> -> memref<1024xf32, #tpu.memory_space<hbm>>
      %dma_start3A_665 = tpu.memref_slice %arg2[%mul3A_2] : memref<32768xf32, #tpu.memory_space<hbm>> -> memref<1024xf32, #tpu.memory_space<hbm>>
      tpu.enqueue_dma source(%dma_start3A_665 : memref<1024xf32, #tpu.memory_space<hbm>>) target(%arg6 : memref<1024xf32, #tpu.memory_space<vmem>>) target_semaphore(%run_scoped3A : memref<!tpu.dma_semaphore, #tpu.memory_space<semaphore_mem>>)
      %dma_wait3A_666 = tpu.memref_slice %arg2[%mul3A_2] : memref<32768xf32, #tpu.memory_space<hbm>> -> memref<1024xf32, #tpu.memory_space<hbm>>
      %dma_wait3A_667 = tpu.memref_slice %arg2[%mul3A_2] : memref<32768xf32, #tpu.memory_space<hbm>> -> memref<1024xf32, #tpu.memory_space<hbm>>
      tpu.wait_dma2 semaphore(%run_scoped3A : memref<!tpu.dma_semaphore, #tpu.memory_space<semaphore_mem>>) src(%dma_wait3A_667 : memref<1024xf32, #tpu.memory_space<hbm>>) dst(%arg6 : memref<1024xf32, #tpu.memory_space<vmem>>)
      tpu.yield
    }) : () -> ()
    "tpu.region"() ({
      %run_scoped3A = tpu.sem_alloc : memref<!tpu.dma_semaphore, #tpu.memory_space<semaphore_mem>>
      %dma_start3A_664 = tpu.memref_slice %arg3[%mul3A_2] : memref<32768xi32, #tpu.memory_space<hbm>> -> memref<1024xi32, #tpu.memory_space<hbm>>
      %dma_start3A_665 = tpu.memref_slice %arg3[%mul3A_2] : memref<32768xi32, #tpu.memory_space<hbm>> -> memref<1024xi32, #tpu.memory_space<hbm>>
      tpu.enqueue_dma source(%dma_start3A_665 : memref<1024xi32, #tpu.memory_space<hbm>>) target(%arg7 : memref<1024xi32, #tpu.memory_space<vmem>>) target_semaphore(%run_scoped3A : memref<!tpu.dma_semaphore, #tpu.memory_space<semaphore_mem>>)
      %dma_wait3A_666 = tpu.memref_slice %arg3[%mul3A_2] : memref<32768xi32, #tpu.memory_space<hbm>> -> memref<1024xi32, #tpu.memory_space<hbm>>
      %dma_wait3A_667 = tpu.memref_slice %arg3[%mul3A_2] : memref<32768xi32, #tpu.memory_space<hbm>> -> memref<1024xi32, #tpu.memory_space<hbm>>
      tpu.wait_dma2 semaphore(%run_scoped3A : memref<!tpu.dma_semaphore, #tpu.memory_space<semaphore_mem>>) src(%dma_wait3A_667 : memref<1024xi32, #tpu.memory_space<hbm>>) dst(%arg7 : memref<1024xi32, #tpu.memory_space<vmem>>)
      tpu.yield
    }) : () -> ()
    "tpu.region"() ({
      %run_scoped3A = tpu.sem_alloc : memref<!tpu.dma_semaphore, #tpu.memory_space<semaphore_mem>>
      tpu.enqueue_dma source(%arg4 : memref<64xf32, #tpu.memory_space<hbm>>) target(%arg8 : memref<64xf32, #tpu.memory_space<vmem>>) target_semaphore(%run_scoped3A : memref<!tpu.dma_semaphore, #tpu.memory_space<semaphore_mem>>)
      tpu.wait_dma2 semaphore(%run_scoped3A : memref<!tpu.dma_semaphore, #tpu.memory_space<semaphore_mem>>) src(%arg4 : memref<64xf32, #tpu.memory_space<hbm>>) dst(%arg8 : memref<64xf32, #tpu.memory_space<vmem>>)
      tpu.yield
    }) : () -> ()
    %get3A = arith.constant 0 : index
    %get3A_35 = tpu.vector_load %arg8[%get3A] {strides = array<i32>} : memref<64xf32, #tpu.memory_space<vmem>>, vector<16xf32>,
    %add3A_36 = arith.constant 9.99999997E-7 : f32
    %add3A_37 = vector.broadcast %add3A_36 : f32 to vector<16xf32>
    %add3A_38 = arith.addf %get3A_35, %add3A_37 : vector<16xf32>
    %div3A_39 = arith.constant 3.276800e+04 : f32
    %div3A_40 = vector.broadcast %div3A_39 : f32 to vector<16xf32>
    %div3A_41 = arith.divf %div3A_40, %add3A_38 : vector<16xf32>
    %swap3A = arith.constant 0 : index
    %swap3A_42 = tpu.vector_load %arg9[%swap3A] {strides = array<i32>} : memref<64xf32, #tpu.memory_space<vmem>>, vector<16xf32>,
    tpu.vector_store %arg9[%swap3A], %div3A_41 {strides = array<i32>} : memref<64xf32, #tpu.memory_space<vmem>>, vector<16xf32>,
    %get3A_43 = arith.constant 16 : index
    %get3A_44 = tpu.vector_load %arg8[%get3A_43] {strides = array<i32>} : memref<64xf32, #tpu.memory_space<vmem>>, vector<16xf32>,
    %add3A_45 = arith.constant 9.99999997E-7 : f32
    %add3A_46 = vector.broadcast %add3A_45 : f32 to vector<16xf32>
    %add3A_47 = arith.addf %get3A_44, %add3A_46 : vector<16xf32>
    %div3A_48 = arith.constant 3.276800e+04 : f32
    %div3A_49 = vector.broadcast %div3A_48 : f32 to vector<16xf32>
    %div3A_50 = arith.divf %div3A_49, %add3A_47 : vector<16xf32>
    %swap3A_51 = arith.constant 16 : index
    %swap3A_52 = tpu.vector_load %arg9[%swap3A_51] {strides = array<i32>} : memref<64xf32, #tpu.memory_space<vmem>>, vector<16xf32>,
    tpu.vector_store %arg9[%swap3A_51], %div3A_50 {strides = array<i32>} : memref<64xf32, #tpu.memory_space<vmem>>, vector<16xf32>,
    %get3A_53 = arith.constant 32 : index
    %get3A_54 = tpu.vector_load %arg8[%get3A_53] {strides = array<i32>} : memref<64xf32, #tpu.memory_space<vmem>>, vector<16xf32>,
    %add3A_55 = arith.constant 9.99999997E-7 : f32
    %add3A_56 = vector.broadcast %add3A_55 : f32 to vector<16xf32>
    %add3A_57 = arith.addf %get3A_54, %add3A_56 : vector<16xf32>
    %div3A_58 = arith.constant 3.276800e+04 : f32
    %div3A_59 = vector.broadcast %div3A_58 : f32 to vector<16xf32>
    %div3A_60 = arith.divf %div3A_59, %add3A_57 : vector<16xf32>
    %swap3A_61 = arith.constant 32 : index
    %swap3A_62 = tpu.vector_load %arg9[%swap3A_61] {strides = array<i32>} : memref<64xf32, #tpu.memory_space<vmem>>, vector<16xf32>,
    tpu.vector_store %arg9[%swap3A_61], %div3A_60 {strides = array<i32>} : memref<64xf32, #tpu.memory_space<vmem>>, vector<16xf32>,
    %get3A_63 = arith.constant 48 : index
    %get3A_64 = tpu.vector_load %arg8[%get3A_63] {strides = array<i32>} : memref<64xf32, #tpu.memory_space<vmem>>, vector<16xf32>,
    %add3A_65 = arith.constant 9.99999997E-7 : f32
    %add3A_66 = vector.broadcast %add3A_65 : f32 to vector<16xf32>
    %add3A_67 = arith.addf %get3A_64, %add3A_66 : vector<16xf32>
    %div3A_68 = arith.constant 3.276800e+04 : f32
    %div3A_69 = vector.broadcast %div3A_68 : f32 to vector<16xf32>
    %div3A_70 = arith.divf %div3A_69, %add3A_67 : vector<16xf32>
    %swap3A_71 = arith.constant 48 : index
    %swap3A_72 = tpu.vector_load %arg9[%swap3A_71] {strides = array<i32>} : memref<64xf32, #tpu.memory_space<vmem>>, vector<16xf32>,
    tpu.vector_store %arg9[%swap3A_71], %div3A_70 {strides = array<i32>} : memref<64xf32, #tpu.memory_space<vmem>>, vector<16xf32>,
    %broadcast_in_dim3A = arith.constant 0.000000e+00 : f32
    %broadcast_in_dim3A_73 = vector.broadcast %broadcast_in_dim3A : f32 to vector<16xf32>
    %scan3A = arith.constant 0 : i32
    %scan3A_74 = arith.constant 0 : i32
    %scan3A_75 = arith.constant 64 : i32
    %scan3A_76 = arith.addi %scan3A_74, %scan3A_75 : i32
    %scan3A_77 = arith.constant 1 : i32
    scf.for %scan3A_664 = %scan3A_74 to %scan3A_76 step %scan3A_77  : i32 {
      %swap3A_665 = arith.index_cast %scan3A_664 : i32 to index
      %swap3A_666 = arith.constant 0 : index
      %swap3A_667 = tpu.vector_load %arg10[%swap3A_665, %swap3A_666] {strides = array<i32>} : memref<64x1024xf32, #tpu.memory_space<vmem>>, vector<16xf32>,
      tpu.vector_store %arg10[%swap3A_665, %swap3A_666], %broadcast_in_dim3A_73 {strides = array<i32>} : memref<64x1024xf32, #tpu.memory_space<vmem>>, vector<16xf32>,
      %swap3A_668 = arith.index_cast %scan3A_664 : i32 to index
      %swap3A_669 = arith.constant 16 : index
      %swap3A_670 = tpu.vector_load %arg10[%swap3A_668, %swap3A_669] {strides = array<i32>} : memref<64x1024xf32, #tpu.memory_space<vmem>>, vector<16xf32>,
      tpu.vector_store %arg10[%swap3A_668, %swap3A_669], %broadcast_in_dim3A_73 {strides = array<i32>} : memref<64x1024xf32, #tpu.memory_space<vmem>>, vector<16xf32>,
      %swap3A_671 = arith.index_cast %scan3A_664 : i32 to index
      %swap3A_672 = arith.constant 32 : index
      %swap3A_673 = tpu.vector_load %arg10[%swap3A_671, %swap3A_672] {strides = array<i32>} : memref<64x1024xf32, #tpu.memory_space<vmem>>, vector<16xf32>,
      tpu.vector_store %arg10[%swap3A_671, %swap3A_672], %broadcast_in_dim3A_73 {strides = array<i32>} : memref<64x1024xf32, #tpu.memory_space<vmem>>, vector<16xf32>,
      %swap3A_674 = arith.index_cast %scan3A_664 : i32 to index
      %swap3A_675 = arith.constant 48 : index
      %swap3A_676 = tpu.vector_load %arg10[%swap3A_674, %swap3A_675] {strides = array<i32>} : memref<64x1024xf32, #tpu.memory_space<vmem>>, vector<16xf32>,
      tpu.vector_store %arg10[%swap3A_674, %swap3A_675], %broadcast_in_dim3A_73 {strides = array<i32>} : memref<64x1024xf32, #tpu.memory_space<vmem>>, vector<16xf32>,
      %swap3A_677 = arith.index_cast %scan3A_664 : i32 to index
      %swap3A_678 = arith.constant 64 : index
      %swap3A_679 = tpu.vector_load %arg10[%swap3A_677, %swap3A_678] {strides = array<i32>} : memref<64x1024xf32, #tpu.memory_space<vmem>>, vector<16xf32>,
      tpu.vector_store %arg10[%swap3A_677, %swap3A_678], %broadcast_in_dim3A_73 {strides = array<i32>} : memref<64x1024xf32, #tpu.memory_space<vmem>>, vector<16xf32>,
      %swap3A_680 = arith.index_cast %scan3A_664 : i32 to index
      %swap3A_681 = arith.constant 80 : index
      %swap3A_682 = tpu.vector_load %arg10[%swap3A_680, %swap3A_681] {strides = array<i32>} : memref<64x1024xf32, #tpu.memory_space<vmem>>, vector<16xf32>,
      tpu.vector_store %arg10[%swap3A_680, %swap3A_681], %broadcast_in_dim3A_73 {strides = array<i32>} : memref<64x1024xf32, #tpu.memory_space<vmem>>, vector<16xf32>,
      %swap3A_683 = arith.index_cast %scan3A_664 : i32 to index
      %swap3A_684 = arith.constant 96 : index
      %swap3A_685 = tpu.vector_load %arg10[%swap3A_683, %swap3A_684] {strides = array<i32>} : memref<64x1024xf32, #tpu.memory_space<vmem>>, vector<16xf32>,
      tpu.vector_store %arg10[%swap3A_683, %swap3A_684], %broadcast_in_dim3A_73 {strides = array<i32>} : memref<64x1024xf32, #tpu.memory_space<vmem>>, vector<16xf32>,
      %swap3A_686 = arith.index_cast %scan3A_664 : i32 to index
      %swap3A_687 = arith.constant 112 : index
      %swap3A_688 = tpu.vector_load %arg10[%swap3A_686, %swap3A_687] {strides = array<i32>} : memref<64x1024xf32, #tpu.memory_space<vmem>>, vector<16xf32>,
      tpu.vector_store %arg10[%swap3A_686, %swap3A_687], %broadcast_in_dim3A_73 {strides = array<i32>} : memref<64x1024xf32, #tpu.memory_space<vmem>>, vector<16xf32>,
      %swap3A_689 = arith.index_cast %scan3A_664 : i32 to index
      %swap3A_690 = arith.constant 128 : index
      %swap3A_691 = tpu.vector_load %arg10[%swap3A_689, %swap3A_690] {strides = array<i32>} : memref<64x1024xf32, #tpu.memory_space<vmem>>, vector<16xf32>,
      tpu.vector_store %arg10[%swap3A_689, %swap3A_690], %broadcast_in_dim3A_73 {strides = array<i32>} : memref<64x1024xf32, #tpu.memory_space<vmem>>, vector<16xf32>,
      %swap3A_692 = arith.index_cast %scan3A_664 : i32 to index
      %swap3A_693 = arith.constant 144 : index
      %swap3A_694 = tpu.vector_load %arg10[%swap3A_692, %swap3A_693] {strides = array<i32>} : memref<64x1024xf32, #tpu.memory_space<vmem>>, vector<16xf32>,
      tpu.vector_store %arg10[%swap3A_692, %swap3A_693], %broadcast_in_dim3A_73 {strides = array<i32>} : memref<64x1024xf32, #tpu.memory_space<vmem>>, vector<16xf32>,
      %swap3A_695 = arith.index_cast %scan3A_664 : i32 to index
      %swap3A_696 = arith.constant 160 : index
      %swap3A_697 = tpu.vector_load %arg10[%swap3A_695, %swap3A_696] {strides = array<i32>} : memref<64x1024xf32, #tpu.memory_space<vmem>>, vector<16xf32>,
      tpu.vector_store %arg10[%swap3A_695, %swap3A_696], %broadcast_in_dim3A_73 {strides = array<i32>} : memref<64x1024xf32, #tpu.memory_space<vmem>>, vector<16xf32>,
      %swap3A_698 = arith.index_cast %scan3A_664 : i32 to index
      %swap3A_699 = arith.constant 176 : index
      %swap3A_700 = tpu.vector_load %arg10[%swap3A_698, %swap3A_699] {strides = array<i32>} : memref<64x1024xf32, #tpu.memory_space<vmem>>, vector<16xf32>,
      tpu.vector_store %arg10[%swap3A_698, %swap3A_699], %broadcast_in_dim3A_73 {strides = array<i32>} : memref<64x1024xf32, #tpu.memory_space<vmem>>, vector<16xf32>,
      %swap3A_701 = arith.index_cast %scan3A_664 : i32 to index
      %swap3A_702 = arith.constant 192 : index
      %swap3A_703 = tpu.vector_load %arg10[%swap3A_701, %swap3A_702] {strides = array<i32>} : memref<64x1024xf32, #tpu.memory_space<vmem>>, vector<16xf32>,
      tpu.vector_store %arg10[%swap3A_701, %swap3A_702], %broadcast_in_dim3A_73 {strides = array<i32>} : memref<64x1024xf32, #tpu.memory_space<vmem>>, vector<16xf32>,
      %swap3A_704 = arith.index_cast %scan3A_664 : i32 to index
      %swap3A_705 = arith.constant 208 : index
      %swap3A_706 = tpu.vector_load %arg10[%swap3A_704, %swap3A_705] {strides = array<i32>} : memref<64x1024xf32, #tpu.memory_space<vmem>>, vector<16xf32>,
      tpu.vector_store %arg10[%swap3A_704, %swap3A_705], %broadcast_in_dim3A_73 {strides = array<i32>} : memref<64x1024xf32, #tpu.memory_space<vmem>>, vector<16xf32>,
      %swap3A_707 = arith.index_cast %scan3A_664 : i32 to index
      %swap3A_708 = arith.constant 224 : index
      %swap3A_709 = tpu.vector_load %arg10[%swap3A_707, %swap3A_708] {strides = array<i32>} : memref<64x1024xf32, #tpu.memory_space<vmem>>, vector<16xf32>,
      tpu.vector_store %arg10[%swap3A_707, %swap3A_708], %broadcast_in_dim3A_73 {strides = array<i32>} : memref<64x1024xf32, #tpu.memory_space<vmem>>, vector<16xf32>,
      %swap3A_710 = arith.index_cast %scan3A_664 : i32 to index
      %swap3A_711 = arith.constant 240 : index
      %swap3A_712 = tpu.vector_load %arg10[%swap3A_710, %swap3A_711] {strides = array<i32>} : memref<64x1024xf32, #tpu.memory_space<vmem>>, vector<16xf32>,
      tpu.vector_store %arg10[%swap3A_710, %swap3A_711], %broadcast_in_dim3A_73 {strides = array<i32>} : memref<64x1024xf32, #tpu.memory_space<vmem>>, vector<16xf32>,
      %swap3A_713 = arith.index_cast %scan3A_664 : i32 to index
      %swap3A_714 = arith.constant 256 : index
      %swap3A_715 = tpu.vector_load %arg10[%swap3A_713, %swap3A_714] {strides = array<i32>} : memref<64x1024xf32, #tpu.memory_space<vmem>>, vector<16xf32>,
      tpu.vector_store %arg10[%swap3A_713, %swap3A_714], %broadcast_in_dim3A_73 {strides = array<i32>} : memref<64x1024xf32, #tpu.memory_space<vmem>>, vector<16xf32>,
      %swap3A_716 = arith.index_cast %scan3A_664 : i32 to index
      %swap3A_717 = arith.constant 272 : index
      %swap3A_718 = tpu.vector_load %arg10[%swap3A_716, %swap3A_717] {strides = array<i32>} : memref<64x1024xf32, #tpu.memory_space<vmem>>, vector<16xf32>,
      tpu.vector_store %arg10[%swap3A_716, %swap3A_717], %broadcast_in_dim3A_73 {strides = array<i32>} : memref<64x1024xf32, #tpu.memory_space<vmem>>, vector<16xf32>,
      %swap3A_719 = arith.index_cast %scan3A_664 : i32 to index
      %swap3A_720 = arith.constant 288 : index
      %swap3A_721 = tpu.vector_load %arg10[%swap3A_719, %swap3A_720] {strides = array<i32>} : memref<64x1024xf32, #tpu.memory_space<vmem>>, vector<16xf32>,
      tpu.vector_store %arg10[%swap3A_719, %swap3A_720], %broadcast_in_dim3A_73 {strides = array<i32>} : memref<64x1024xf32, #tpu.memory_space<vmem>>, vector<16xf32>,
      %swap3A_722 = arith.index_cast %scan3A_664 : i32 to index
      %swap3A_723 = arith.constant 304 : index
      %swap3A_724 = tpu.vector_load %arg10[%swap3A_722, %swap3A_723] {strides = array<i32>} : memref<64x1024xf32, #tpu.memory_space<vmem>>, vector<16xf32>,
      tpu.vector_store %arg10[%swap3A_722, %swap3A_723], %broadcast_in_dim3A_73 {strides = array<i32>} : memref<64x1024xf32, #tpu.memory_space<vmem>>, vector<16xf32>,
      %swap3A_725 = arith.index_cast %scan3A_664 : i32 to index
      %swap3A_726 = arith.constant 320 : index
      %swap3A_727 = tpu.vector_load %arg10[%swap3A_725, %swap3A_726] {strides = array<i32>} : memref<64x1024xf32, #tpu.memory_space<vmem>>, vector<16xf32>,
      tpu.vector_store %arg10[%swap3A_725, %swap3A_726], %broadcast_in_dim3A_73 {strides = array<i32>} : memref<64x1024xf32, #tpu.memory_space<vmem>>, vector<16xf32>,
      %swap3A_728 = arith.index_cast %scan3A_664 : i32 to index
      %swap3A_729 = arith.constant 336 : index
      %swap3A_730 = tpu.vector_load %arg10[%swap3A_728, %swap3A_729] {strides = array<i32>} : memref<64x1024xf32, #tpu.memory_space<vmem>>, vector<16xf32>,
      tpu.vector_store %arg10[%swap3A_728, %swap3A_729], %broadcast_in_dim3A_73 {strides = array<i32>} : memref<64x1024xf32, #tpu.memory_space<vmem>>, vector<16xf32>,
      %swap3A_731 = arith.index_cast %scan3A_664 : i32 to index
      %swap3A_732 = arith.constant 352 : index
      %swap3A_733 = tpu.vector_load %arg10[%swap3A_731, %swap3A_732] {strides = array<i32>} : memref<64x1024xf32, #tpu.memory_space<vmem>>, vector<16xf32>,
      tpu.vector_store %arg10[%swap3A_731, %swap3A_732], %broadcast_in_dim3A_73 {strides = array<i32>} : memref<64x1024xf32, #tpu.memory_space<vmem>>, vector<16xf32>,
      %swap3A_734 = arith.index_cast %scan3A_664 : i32 to index
      %swap3A_735 = arith.constant 368 : index
      %swap3A_736 = tpu.vector_load %arg10[%swap3A_734, %swap3A_735] {strides = array<i32>} : memref<64x1024xf32, #tpu.memory_space<vmem>>, vector<16xf32>,
      tpu.vector_store %arg10[%swap3A_734, %swap3A_735], %broadcast_in_dim3A_73 {strides = array<i32>} : memref<64x1024xf32, #tpu.memory_space<vmem>>, vector<16xf32>,
      %swap3A_737 = arith.index_cast %scan3A_664 : i32 to index
      %swap3A_738 = arith.constant 384 : index
      %swap3A_739 = tpu.vector_load %arg10[%swap3A_737, %swap3A_738] {strides = array<i32>} : memref<64x1024xf32, #tpu.memory_space<vmem>>, vector<16xf32>,
      tpu.vector_store %arg10[%swap3A_737, %swap3A_738], %broadcast_in_dim3A_73 {strides = array<i32>} : memref<64x1024xf32, #tpu.memory_space<vmem>>, vector<16xf32>,
      %swap3A_740 = arith.index_cast %scan3A_664 : i32 to index
      %swap3A_741 = arith.constant 400 : index
      %swap3A_742 = tpu.vector_load %arg10[%swap3A_740, %swap3A_741] {strides = array<i32>} : memref<64x1024xf32, #tpu.memory_space<vmem>>, vector<16xf32>,
      tpu.vector_store %arg10[%swap3A_740, %swap3A_741], %broadcast_in_dim3A_73 {strides = array<i32>} : memref<64x1024xf32, #tpu.memory_space<vmem>>, vector<16xf32>,
      %swap3A_743 = arith.index_cast %scan3A_664 : i32 to index
      %swap3A_744 = arith.constant 416 : index
      %swap3A_745 = tpu.vector_load %arg10[%swap3A_743, %swap3A_744] {strides = array<i32>} : memref<64x1024xf32, #tpu.memory_space<vmem>>, vector<16xf32>,
      tpu.vector_store %arg10[%swap3A_743, %swap3A_744], %broadcast_in_dim3A_73 {strides = array<i32>} : memref<64x1024xf32, #tpu.memory_space<vmem>>, vector<16xf32>,
      %swap3A_746 = arith.index_cast %scan3A_664 : i32 to index
      %swap3A_747 = arith.constant 432 : index
      %swap3A_748 = tpu.vector_load %arg10[%swap3A_746, %swap3A_747] {strides = array<i32>} : memref<64x1024xf32, #tpu.memory_space<vmem>>, vector<16xf32>,
      tpu.vector_store %arg10[%swap3A_746, %swap3A_747], %broadcast_in_dim3A_73 {strides = array<i32>} : memref<64x1024xf32, #tpu.memory_space<vmem>>, vector<16xf32>,
      %swap3A_749 = arith.index_cast %scan3A_664 : i32 to index
      %swap3A_750 = arith.constant 448 : index
      %swap3A_751 = tpu.vector_load %arg10[%swap3A_749, %swap3A_750] {strides = array<i32>} : memref<64x1024xf32, #tpu.memory_space<vmem>>, vector<16xf32>,
      tpu.vector_store %arg10[%swap3A_749, %swap3A_750], %broadcast_in_dim3A_73 {strides = array<i32>} : memref<64x1024xf32, #tpu.memory_space<vmem>>, vector<16xf32>,
      %swap3A_752 = arith.index_cast %scan3A_664 : i32 to index
      %swap3A_753 = arith.constant 464 : index
      %swap3A_754 = tpu.vector_load %arg10[%swap3A_752, %swap3A_753] {strides = array<i32>} : memref<64x1024xf32, #tpu.memory_space<vmem>>, vector<16xf32>,
      tpu.vector_store %arg10[%swap3A_752, %swap3A_753], %broadcast_in_dim3A_73 {strides = array<i32>} : memref<64x1024xf32, #tpu.memory_space<vmem>>, vector<16xf32>,
      %swap3A_755 = arith.index_cast %scan3A_664 : i32 to index
      %swap3A_756 = arith.constant 480 : index
      %swap3A_757 = tpu.vector_load %arg10[%swap3A_755, %swap3A_756] {strides = array<i32>} : memref<64x1024xf32, #tpu.memory_space<vmem>>, vector<16xf32>,
      tpu.vector_store %arg10[%swap3A_755, %swap3A_756], %broadcast_in_dim3A_73 {strides = array<i32>} : memref<64x1024xf32, #tpu.memory_space<vmem>>, vector<16xf32>,
      %swap3A_758 = arith.index_cast %scan3A_664 : i32 to index
      %swap3A_759 = arith.constant 496 : index
      %swap3A_760 = tpu.vector_load %arg10[%swap3A_758, %swap3A_759] {strides = array<i32>} : memref<64x1024xf32, #tpu.memory_space<vmem>>, vector<16xf32>,
      tpu.vector_store %arg10[%swap3A_758, %swap3A_759], %broadcast_in_dim3A_73 {strides = array<i32>} : memref<64x1024xf32, #tpu.memory_space<vmem>>, vector<16xf32>,
      %swap3A_761 = arith.index_cast %scan3A_664 : i32 to index
      %swap3A_762 = arith.constant 512 : index
      %swap3A_763 = tpu.vector_load %arg10[%swap3A_761, %swap3A_762] {strides = array<i32>} : memref<64x1024xf32, #tpu.memory_space<vmem>>, vector<16xf32>,
      tpu.vector_store %arg10[%swap3A_761, %swap3A_762], %broadcast_in_dim3A_73 {strides = array<i32>} : memref<64x1024xf32, #tpu.memory_space<vmem>>, vector<16xf32>,
      %swap3A_764 = arith.index_cast %scan3A_664 : i32 to index
      %swap3A_765 = arith.constant 528 : index
      %swap3A_766 = tpu.vector_load %arg10[%swap3A_764, %swap3A_765] {strides = array<i32>} : memref<64x1024xf32, #tpu.memory_space<vmem>>, vector<16xf32>,
      tpu.vector_store %arg10[%swap3A_764, %swap3A_765], %broadcast_in_dim3A_73 {strides = array<i32>} : memref<64x1024xf32, #tpu.memory_space<vmem>>, vector<16xf32>,
      %swap3A_767 = arith.index_cast %scan3A_664 : i32 to index
      %swap3A_768 = arith.constant 544 : index
      %swap3A_769 = tpu.vector_load %arg10[%swap3A_767, %swap3A_768] {strides = array<i32>} : memref<64x1024xf32, #tpu.memory_space<vmem>>, vector<16xf32>,
      tpu.vector_store %arg10[%swap3A_767, %swap3A_768], %broadcast_in_dim3A_73 {strides = array<i32>} : memref<64x1024xf32, #tpu.memory_space<vmem>>, vector<16xf32>,
      %swap3A_770 = arith.index_cast %scan3A_664 : i32 to index
      %swap3A_771 = arith.constant 560 : index
      %swap3A_772 = tpu.vector_load %arg10[%swap3A_770, %swap3A_771] {strides = array<i32>} : memref<64x1024xf32, #tpu.memory_space<vmem>>, vector<16xf32>,
      tpu.vector_store %arg10[%swap3A_770, %swap3A_771], %broadcast_in_dim3A_73 {strides = array<i32>} : memref<64x1024xf32, #tpu.memory_space<vmem>>, vector<16xf32>,
      %swap3A_773 = arith.index_cast %scan3A_664 : i32 to index
      %swap3A_774 = arith.constant 576 : index
      %swap3A_775 = tpu.vector_load %arg10[%swap3A_773, %swap3A_774] {strides = array<i32>} : memref<64x1024xf32, #tpu.memory_space<vmem>>, vector<16xf32>,
      tpu.vector_store %arg10[%swap3A_773, %swap3A_774], %broadcast_in_dim3A_73 {strides = array<i32>} : memref<64x1024xf32, #tpu.memory_space<vmem>>, vector<16xf32>,
      %swap3A_776 = arith.index_cast %scan3A_664 : i32 to index
      %swap3A_777 = arith.constant 592 : index
      %swap3A_778 = tpu.vector_load %arg10[%swap3A_776, %swap3A_777] {strides = array<i32>} : memref<64x1024xf32, #tpu.memory_space<vmem>>, vector<16xf32>,
      tpu.vector_store %arg10[%swap3A_776, %swap3A_777], %broadcast_in_dim3A_73 {strides = array<i32>} : memref<64x1024xf32, #tpu.memory_space<vmem>>, vector<16xf32>,
      %swap3A_779 = arith.index_cast %scan3A_664 : i32 to index
      %swap3A_780 = arith.constant 608 : index
      %swap3A_781 = tpu.vector_load %arg10[%swap3A_779, %swap3A_780] {strides = array<i32>} : memref<64x1024xf32, #tpu.memory_space<vmem>>, vector<16xf32>,
      tpu.vector_store %arg10[%swap3A_779, %swap3A_780], %broadcast_in_dim3A_73 {strides = array<i32>} : memref<64x1024xf32, #tpu.memory_space<vmem>>, vector<16xf32>,
      %swap3A_782 = arith.index_cast %scan3A_664 : i32 to index
      %swap3A_783 = arith.constant 624 : index
      %swap3A_784 = tpu.vector_load %arg10[%swap3A_782, %swap3A_783] {strides = array<i32>} : memref<64x1024xf32, #tpu.memory_space<vmem>>, vector<16xf32>,
      tpu.vector_store %arg10[%swap3A_782, %swap3A_783], %broadcast_in_dim3A_73 {strides = array<i32>} : memref<64x1024xf32, #tpu.memory_space<vmem>>, vector<16xf32>,
      %swap3A_785 = arith.index_cast %scan3A_664 : i32 to index
      %swap3A_786 = arith.constant 640 : index
      %swap3A_787 = tpu.vector_load %arg10[%swap3A_785, %swap3A_786] {strides = array<i32>} : memref<64x1024xf32, #tpu.memory_space<vmem>>, vector<16xf32>,
      tpu.vector_store %arg10[%swap3A_785, %swap3A_786], %broadcast_in_dim3A_73 {strides = array<i32>} : memref<64x1024xf32, #tpu.memory_space<vmem>>, vector<16xf32>,
      %swap3A_788 = arith.index_cast %scan3A_664 : i32 to index
      %swap3A_789 = arith.constant 656 : index
      %swap3A_790 = tpu.vector_load %arg10[%swap3A_788, %swap3A_789] {strides = array<i32>} : memref<64x1024xf32, #tpu.memory_space<vmem>>, vector<16xf32>,
      tpu.vector_store %arg10[%swap3A_788, %swap3A_789], %broadcast_in_dim3A_73 {strides = array<i32>} : memref<64x1024xf32, #tpu.memory_space<vmem>>, vector<16xf32>,
      %swap3A_791 = arith.index_cast %scan3A_664 : i32 to index
      %swap3A_792 = arith.constant 672 : index
      %swap3A_793 = tpu.vector_load %arg10[%swap3A_791, %swap3A_792] {strides = array<i32>} : memref<64x1024xf32, #tpu.memory_space<vmem>>, vector<16xf32>,
      tpu.vector_store %arg10[%swap3A_791, %swap3A_792], %broadcast_in_dim3A_73 {strides = array<i32>} : memref<64x1024xf32, #tpu.memory_space<vmem>>, vector<16xf32>,
      %swap3A_794 = arith.index_cast %scan3A_664 : i32 to index
      %swap3A_795 = arith.constant 688 : index
      %swap3A_796 = tpu.vector_load %arg10[%swap3A_794, %swap3A_795] {strides = array<i32>} : memref<64x1024xf32, #tpu.memory_space<vmem>>, vector<16xf32>,
      tpu.vector_store %arg10[%swap3A_794, %swap3A_795], %broadcast_in_dim3A_73 {strides = array<i32>} : memref<64x1024xf32, #tpu.memory_space<vmem>>, vector<16xf32>,
      %swap3A_797 = arith.index_cast %scan3A_664 : i32 to index
      %swap3A_798 = arith.constant 704 : index
      %swap3A_799 = tpu.vector_load %arg10[%swap3A_797, %swap3A_798] {strides = array<i32>} : memref<64x1024xf32, #tpu.memory_space<vmem>>, vector<16xf32>,
      tpu.vector_store %arg10[%swap3A_797, %swap3A_798], %broadcast_in_dim3A_73 {strides = array<i32>} : memref<64x1024xf32, #tpu.memory_space<vmem>>, vector<16xf32>,
      %swap3A_800 = arith.index_cast %scan3A_664 : i32 to index
      %swap3A_801 = arith.constant 720 : index
      %swap3A_802 = tpu.vector_load %arg10[%swap3A_800, %swap3A_801] {strides = array<i32>} : memref<64x1024xf32, #tpu.memory_space<vmem>>, vector<16xf32>,
      tpu.vector_store %arg10[%swap3A_800, %swap3A_801], %broadcast_in_dim3A_73 {strides = array<i32>} : memref<64x1024xf32, #tpu.memory_space<vmem>>, vector<16xf32>,
      %swap3A_803 = arith.index_cast %scan3A_664 : i32 to index
      %swap3A_804 = arith.constant 736 : index
      %swap3A_805 = tpu.vector_load %arg10[%swap3A_803, %swap3A_804] {strides = array<i32>} : memref<64x1024xf32, #tpu.memory_space<vmem>>, vector<16xf32>,
      tpu.vector_store %arg10[%swap3A_803, %swap3A_804], %broadcast_in_dim3A_73 {strides = array<i32>} : memref<64x1024xf32, #tpu.memory_space<vmem>>, vector<16xf32>,
      %swap3A_806 = arith.index_cast %scan3A_664 : i32 to index
      %swap3A_807 = arith.constant 752 : index
      %swap3A_808 = tpu.vector_load %arg10[%swap3A_806, %swap3A_807] {strides = array<i32>} : memref<64x1024xf32, #tpu.memory_space<vmem>>, vector<16xf32>,
      tpu.vector_store %arg10[%swap3A_806, %swap3A_807], %broadcast_in_dim3A_73 {strides = array<i32>} : memref<64x1024xf32, #tpu.memory_space<vmem>>, vector<16xf32>,
      %swap3A_809 = arith.index_cast %scan3A_664 : i32 to index
      %swap3A_810 = arith.constant 768 : index
      %swap3A_811 = tpu.vector_load %arg10[%swap3A_809, %swap3A_810] {strides = array<i32>} : memref<64x1024xf32, #tpu.memory_space<vmem>>, vector<16xf32>,
      tpu.vector_store %arg10[%swap3A_809, %swap3A_810], %broadcast_in_dim3A_73 {strides = array<i32>} : memref<64x1024xf32, #tpu.memory_space<vmem>>, vector<16xf32>,
      %swap3A_812 = arith.index_cast %scan3A_664 : i32 to index
      %swap3A_813 = arith.constant 784 : index
      %swap3A_814 = tpu.vector_load %arg10[%swap3A_812, %swap3A_813] {strides = array<i32>} : memref<64x1024xf32, #tpu.memory_space<vmem>>, vector<16xf32>,
      tpu.vector_store %arg10[%swap3A_812, %swap3A_813], %broadcast_in_dim3A_73 {strides = array<i32>} : memref<64x1024xf32, #tpu.memory_space<vmem>>, vector<16xf32>,
      %swap3A_815 = arith.index_cast %scan3A_664 : i32 to index
      %swap3A_816 = arith.constant 800 : index
      %swap3A_817 = tpu.vector_load %arg10[%swap3A_815, %swap3A_816] {strides = array<i32>} : memref<64x1024xf32, #tpu.memory_space<vmem>>, vector<16xf32>,
      tpu.vector_store %arg10[%swap3A_815, %swap3A_816], %broadcast_in_dim3A_73 {strides = array<i32>} : memref<64x1024xf32, #tpu.memory_space<vmem>>, vector<16xf32>,
      %swap3A_818 = arith.index_cast %scan3A_664 : i32 to index
      %swap3A_819 = arith.constant 816 : index
      %swap3A_820 = tpu.vector_load %arg10[%swap3A_818, %swap3A_819] {strides = array<i32>} : memref<64x1024xf32, #tpu.memory_space<vmem>>, vector<16xf32>,
      tpu.vector_store %arg10[%swap3A_818, %swap3A_819], %broadcast_in_dim3A_73 {strides = array<i32>} : memref<64x1024xf32, #tpu.memory_space<vmem>>, vector<16xf32>,
      %swap3A_821 = arith.index_cast %scan3A_664 : i32 to index
      %swap3A_822 = arith.constant 832 : index
      %swap3A_823 = tpu.vector_load %arg10[%swap3A_821, %swap3A_822] {strides = array<i32>} : memref<64x1024xf32, #tpu.memory_space<vmem>>, vector<16xf32>,
      tpu.vector_store %arg10[%swap3A_821, %swap3A_822], %broadcast_in_dim3A_73 {strides = array<i32>} : memref<64x1024xf32, #tpu.memory_space<vmem>>, vector<16xf32>,
      %swap3A_824 = arith.index_cast %scan3A_664 : i32 to index
      %swap3A_825 = arith.constant 848 : index
      %swap3A_826 = tpu.vector_load %arg10[%swap3A_824, %swap3A_825] {strides = array<i32>} : memref<64x1024xf32, #tpu.memory_space<vmem>>, vector<16xf32>,
      tpu.vector_store %arg10[%swap3A_824, %swap3A_825], %broadcast_in_dim3A_73 {strides = array<i32>} : memref<64x1024xf32, #tpu.memory_space<vmem>>, vector<16xf32>,
      %swap3A_827 = arith.index_cast %scan3A_664 : i32 to index
      %swap3A_828 = arith.constant 864 : index
      %swap3A_829 = tpu.vector_load %arg10[%swap3A_827, %swap3A_828] {strides = array<i32>} : memref<64x1024xf32, #tpu.memory_space<vmem>>, vector<16xf32>,
      tpu.vector_store %arg10[%swap3A_827, %swap3A_828], %broadcast_in_dim3A_73 {strides = array<i32>} : memref<64x1024xf32, #tpu.memory_space<vmem>>, vector<16xf32>,
      %swap3A_830 = arith.index_cast %scan3A_664 : i32 to index
      %swap3A_831 = arith.constant 880 : index
      %swap3A_832 = tpu.vector_load %arg10[%swap3A_830, %swap3A_831] {strides = array<i32>} : memref<64x1024xf32, #tpu.memory_space<vmem>>, vector<16xf32>,
      tpu.vector_store %arg10[%swap3A_830, %swap3A_831], %broadcast_in_dim3A_73 {strides = array<i32>} : memref<64x1024xf32, #tpu.memory_space<vmem>>, vector<16xf32>,
      %swap3A_833 = arith.index_cast %scan3A_664 : i32 to index
      %swap3A_834 = arith.constant 896 : index
      %swap3A_835 = tpu.vector_load %arg10[%swap3A_833, %swap3A_834] {strides = array<i32>} : memref<64x1024xf32, #tpu.memory_space<vmem>>, vector<16xf32>,
      tpu.vector_store %arg10[%swap3A_833, %swap3A_834], %broadcast_in_dim3A_73 {strides = array<i32>} : memref<64x1024xf32, #tpu.memory_space<vmem>>, vector<16xf32>,
      %swap3A_836 = arith.index_cast %scan3A_664 : i32 to index
      %swap3A_837 = arith.constant 912 : index
      %swap3A_838 = tpu.vector_load %arg10[%swap3A_836, %swap3A_837] {strides = array<i32>} : memref<64x1024xf32, #tpu.memory_space<vmem>>, vector<16xf32>,
      tpu.vector_store %arg10[%swap3A_836, %swap3A_837], %broadcast_in_dim3A_73 {strides = array<i32>} : memref<64x1024xf32, #tpu.memory_space<vmem>>, vector<16xf32>,
      %swap3A_839 = arith.index_cast %scan3A_664 : i32 to index
      %swap3A_840 = arith.constant 928 : index
      %swap3A_841 = tpu.vector_load %arg10[%swap3A_839, %swap3A_840] {strides = array<i32>} : memref<64x1024xf32, #tpu.memory_space<vmem>>, vector<16xf32>,
      tpu.vector_store %arg10[%swap3A_839, %swap3A_840], %broadcast_in_dim3A_73 {strides = array<i32>} : memref<64x1024xf32, #tpu.memory_space<vmem>>, vector<16xf32>,
      %swap3A_842 = arith.index_cast %scan3A_664 : i32 to index
      %swap3A_843 = arith.constant 944 : index
      %swap3A_844 = tpu.vector_load %arg10[%swap3A_842, %swap3A_843] {strides = array<i32>} : memref<64x1024xf32, #tpu.memory_space<vmem>>, vector<16xf32>,
      tpu.vector_store %arg10[%swap3A_842, %swap3A_843], %broadcast_in_dim3A_73 {strides = array<i32>} : memref<64x1024xf32, #tpu.memory_space<vmem>>, vector<16xf32>,
      %swap3A_845 = arith.index_cast %scan3A_664 : i32 to index
      %swap3A_846 = arith.constant 960 : index
      %swap3A_847 = tpu.vector_load %arg10[%swap3A_845, %swap3A_846] {strides = array<i32>} : memref<64x1024xf32, #tpu.memory_space<vmem>>, vector<16xf32>,
      tpu.vector_store %arg10[%swap3A_845, %swap3A_846], %broadcast_in_dim3A_73 {strides = array<i32>} : memref<64x1024xf32, #tpu.memory_space<vmem>>, vector<16xf32>,
      %swap3A_848 = arith.index_cast %scan3A_664 : i32 to index
      %swap3A_849 = arith.constant 976 : index
      %swap3A_850 = tpu.vector_load %arg10[%swap3A_848, %swap3A_849] {strides = array<i32>} : memref<64x1024xf32, #tpu.memory_space<vmem>>, vector<16xf32>,
      tpu.vector_store %arg10[%swap3A_848, %swap3A_849], %broadcast_in_dim3A_73 {strides = array<i32>} : memref<64x1024xf32, #tpu.memory_space<vmem>>, vector<16xf32>,
      %swap3A_851 = arith.index_cast %scan3A_664 : i32 to index
      %swap3A_852 = arith.constant 992 : index
      %swap3A_853 = tpu.vector_load %arg10[%swap3A_851, %swap3A_852] {strides = array<i32>} : memref<64x1024xf32, #tpu.memory_space<vmem>>, vector<16xf32>,
      tpu.vector_store %arg10[%swap3A_851, %swap3A_852], %broadcast_in_dim3A_73 {strides = array<i32>} : memref<64x1024xf32, #tpu.memory_space<vmem>>, vector<16xf32>,
      %swap3A_854 = arith.index_cast %scan3A_664 : i32 to index
      %swap3A_855 = arith.constant 1008 : index
      %swap3A_856 = tpu.vector_load %arg10[%swap3A_854, %swap3A_855] {strides = array<i32>} : memref<64x1024xf32, #tpu.memory_space<vmem>>, vector<16xf32>,
      tpu.vector_store %arg10[%swap3A_854, %swap3A_855], %broadcast_in_dim3A_73 {strides = array<i32>} : memref<64x1024xf32, #tpu.memory_space<vmem>>, vector<16xf32>,
    }
    %scan3A_78 = arith.constant 64 : i32
    %iota3A = tpu.iota {dimensions = array<i32: 0>} : vector<16xi32>
    %get3A_79 = arith.constant 0 : index
    %get3A_80 = tpu.vector_load %arg7[%get3A_79] {strides = array<i32>} : memref<1024xi32, #tpu.memory_space<vmem>>, vector<16xi32>,
    %get3A_81 = arith.constant 0 : index
    %get3A_82 = tpu.vector_load %arg6[%get3A_81] {strides = array<i32>} : memref<1024xf32, #tpu.memory_space<vmem>>, vector<16xf32>,
    %gather3A = tpu.vector_load_idx %arg9[%get3A_80] : memref<64xf32, #tpu.memory_space<vmem>>[vector<16xi32>], vector<16xf32>,
    %mul3A_83 = arith.mulf %get3A_82, %gather3A : vector<16xf32>
    %add3A_84 = arith.constant 0 : i32
    %add3A_85 = vector.broadcast %add3A_84 : i32 to vector<16xi32>
    %add3A_86 = arith.addi %add3A_85, %iota3A : vector<16xi32>
    tpu.vector_store_idx %arg10[%get3A_80, %add3A_86], %mul3A_83 : memref<64x1024xf32, #tpu.memory_space<vmem>>[vector<16xi32>, vector<16xi32>], vector<16xf32>,
    %get3A_87 = arith.constant 16 : index
    %get3A_88 = tpu.vector_load %arg7[%get3A_87] {strides = array<i32>} : memref<1024xi32, #tpu.memory_space<vmem>>, vector<16xi32>,
    %get3A_89 = arith.constant 16 : index
    %get3A_90 = tpu.vector_load %arg6[%get3A_89] {strides = array<i32>} : memref<1024xf32, #tpu.memory_space<vmem>>, vector<16xf32>,
    %gather3A_91 = tpu.vector_load_idx %arg9[%get3A_88] : memref<64xf32, #tpu.memory_space<vmem>>[vector<16xi32>], vector<16xf32>,
    %mul3A_92 = arith.mulf %get3A_90, %gather3A_91 : vector<16xf32>
    %add3A_93 = arith.constant 16 : i32
    %add3A_94 = vector.broadcast %add3A_93 : i32 to vector<16xi32>
    %add3A_95 = arith.addi %add3A_94, %iota3A : vector<16xi32>
    tpu.vector_store_idx %arg10[%get3A_88, %add3A_95], %mul3A_92 : memref<64x1024xf32, #tpu.memory_space<vmem>>[vector<16xi32>, vector<16xi32>], vector<16xf32>,
    %get3A_96 = arith.constant 32 : index
    %get3A_97 = tpu.vector_load %arg7[%get3A_96] {strides = array<i32>} : memref<1024xi32, #tpu.memory_space<vmem>>, vector<16xi32>,
    %get3A_98 = arith.constant 32 : index
    %get3A_99 = tpu.vector_load %arg6[%get3A_98] {strides = array<i32>} : memref<1024xf32, #tpu.memory_space<vmem>>, vector<16xf32>,
    %gather3A_100 = tpu.vector_load_idx %arg9[%get3A_97] : memref<64xf32, #tpu.memory_space<vmem>>[vector<16xi32>], vector<16xf32>,
    %mul3A_101 = arith.mulf %get3A_99, %gather3A_100 : vector<16xf32>
    %add3A_102 = arith.constant 32 : i32
    %add3A_103 = vector.broadcast %add3A_102 : i32 to vector<16xi32>
    %add3A_104 = arith.addi %add3A_103, %iota3A : vector<16xi32>
    tpu.vector_store_idx %arg10[%get3A_97, %add3A_104], %mul3A_101 : memref<64x1024xf32, #tpu.memory_space<vmem>>[vector<16xi32>, vector<16xi32>], vector<16xf32>,
    %get3A_105 = arith.constant 48 : index
    %get3A_106 = tpu.vector_load %arg7[%get3A_105] {strides = array<i32>} : memref<1024xi32, #tpu.memory_space<vmem>>, vector<16xi32>,
    %get3A_107 = arith.constant 48 : index
    %get3A_108 = tpu.vector_load %arg6[%get3A_107] {strides = array<i32>} : memref<1024xf32, #tpu.memory_space<vmem>>, vector<16xf32>,
    %gather3A_109 = tpu.vector_load_idx %arg9[%get3A_106] : memref<64xf32, #tpu.memory_space<vmem>>[vector<16xi32>], vector<16xf32>,
    %mul3A_110 = arith.mulf %get3A_108, %gather3A_109 : vector<16xf32>
    %add3A_111 = arith.constant 48 : i32
    %add3A_112 = vector.broadcast %add3A_111 : i32 to vector<16xi32>
    %add3A_113 = arith.addi %add3A_112, %iota3A : vector<16xi32>
    tpu.vector_store_idx %arg10[%get3A_106, %add3A_113], %mul3A_110 : memref<64x1024xf32, #tpu.memory_space<vmem>>[vector<16xi32>, vector<16xi32>], vector<16xf32>,
    %get3A_114 = arith.constant 64 : index
    %get3A_115 = tpu.vector_load %arg7[%get3A_114] {strides = array<i32>} : memref<1024xi32, #tpu.memory_space<vmem>>, vector<16xi32>,
    %get3A_116 = arith.constant 64 : index
    %get3A_117 = tpu.vector_load %arg6[%get3A_116] {strides = array<i32>} : memref<1024xf32, #tpu.memory_space<vmem>>, vector<16xf32>,
    %gather3A_118 = tpu.vector_load_idx %arg9[%get3A_115] : memref<64xf32, #tpu.memory_space<vmem>>[vector<16xi32>], vector<16xf32>,
    %mul3A_119 = arith.mulf %get3A_117, %gather3A_118 : vector<16xf32>
    %add3A_120 = arith.constant 64 : i32
    %add3A_121 = vector.broadcast %add3A_120 : i32 to vector<16xi32>
    %add3A_122 = arith.addi %add3A_121, %iota3A : vector<16xi32>
    tpu.vector_store_idx %arg10[%get3A_115, %add3A_122], %mul3A_119 : memref<64x1024xf32, #tpu.memory_space<vmem>>[vector<16xi32>, vector<16xi32>], vector<16xf32>,
    %get3A_123 = arith.constant 80 : index
    %get3A_124 = tpu.vector_load %arg7[%get3A_123] {strides = array<i32>} : memref<1024xi32, #tpu.memory_space<vmem>>, vector<16xi32>,
    %get3A_125 = arith.constant 80 : index
    %get3A_126 = tpu.vector_load %arg6[%get3A_125] {strides = array<i32>} : memref<1024xf32, #tpu.memory_space<vmem>>, vector<16xf32>,
    %gather3A_127 = tpu.vector_load_idx %arg9[%get3A_124] : memref<64xf32, #tpu.memory_space<vmem>>[vector<16xi32>], vector<16xf32>,
    %mul3A_128 = arith.mulf %get3A_126, %gather3A_127 : vector<16xf32>
    %add3A_129 = arith.constant 80 : i32
    %add3A_130 = vector.broadcast %add3A_129 : i32 to vector<16xi32>
    %add3A_131 = arith.addi %add3A_130, %iota3A : vector<16xi32>
    tpu.vector_store_idx %arg10[%get3A_124, %add3A_131], %mul3A_128 : memref<64x1024xf32, #tpu.memory_space<vmem>>[vector<16xi32>, vector<16xi32>], vector<16xf32>,
    %get3A_132 = arith.constant 96 : index
    %get3A_133 = tpu.vector_load %arg7[%get3A_132] {strides = array<i32>} : memref<1024xi32, #tpu.memory_space<vmem>>, vector<16xi32>,
    %get3A_134 = arith.constant 96 : index
    %get3A_135 = tpu.vector_load %arg6[%get3A_134] {strides = array<i32>} : memref<1024xf32, #tpu.memory_space<vmem>>, vector<16xf32>,
    %gather3A_136 = tpu.vector_load_idx %arg9[%get3A_133] : memref<64xf32, #tpu.memory_space<vmem>>[vector<16xi32>], vector<16xf32>,
    %mul3A_137 = arith.mulf %get3A_135, %gather3A_136 : vector<16xf32>
    %add3A_138 = arith.constant 96 : i32
    %add3A_139 = vector.broadcast %add3A_138 : i32 to vector<16xi32>
    %add3A_140 = arith.addi %add3A_139, %iota3A : vector<16xi32>
    tpu.vector_store_idx %arg10[%get3A_133, %add3A_140], %mul3A_137 : memref<64x1024xf32, #tpu.memory_space<vmem>>[vector<16xi32>, vector<16xi32>], vector<16xf32>,
    %get3A_141 = arith.constant 112 : index
    %get3A_142 = tpu.vector_load %arg7[%get3A_141] {strides = array<i32>} : memref<1024xi32, #tpu.memory_space<vmem>>, vector<16xi32>,
    %get3A_143 = arith.constant 112 : index
    %get3A_144 = tpu.vector_load %arg6[%get3A_143] {strides = array<i32>} : memref<1024xf32, #tpu.memory_space<vmem>>, vector<16xf32>,
    %gather3A_145 = tpu.vector_load_idx %arg9[%get3A_142] : memref<64xf32, #tpu.memory_space<vmem>>[vector<16xi32>], vector<16xf32>,
    %mul3A_146 = arith.mulf %get3A_144, %gather3A_145 : vector<16xf32>
    %add3A_147 = arith.constant 112 : i32
    %add3A_148 = vector.broadcast %add3A_147 : i32 to vector<16xi32>
    %add3A_149 = arith.addi %add3A_148, %iota3A : vector<16xi32>
    tpu.vector_store_idx %arg10[%get3A_142, %add3A_149], %mul3A_146 : memref<64x1024xf32, #tpu.memory_space<vmem>>[vector<16xi32>, vector<16xi32>], vector<16xf32>,
    %get3A_150 = arith.constant 128 : index
    %get3A_151 = tpu.vector_load %arg7[%get3A_150] {strides = array<i32>} : memref<1024xi32, #tpu.memory_space<vmem>>, vector<16xi32>,
    %get3A_152 = arith.constant 128 : index
    %get3A_153 = tpu.vector_load %arg6[%get3A_152] {strides = array<i32>} : memref<1024xf32, #tpu.memory_space<vmem>>, vector<16xf32>,
    %gather3A_154 = tpu.vector_load_idx %arg9[%get3A_151] : memref<64xf32, #tpu.memory_space<vmem>>[vector<16xi32>], vector<16xf32>,
    %mul3A_155 = arith.mulf %get3A_153, %gather3A_154 : vector<16xf32>
    %add3A_156 = arith.constant 128 : i32
    %add3A_157 = vector.broadcast %add3A_156 : i32 to vector<16xi32>
    %add3A_158 = arith.addi %add3A_157, %iota3A : vector<16xi32>
    tpu.vector_store_idx %arg10[%get3A_151, %add3A_158], %mul3A_155 : memref<64x1024xf32, #tpu.memory_space<vmem>>[vector<16xi32>, vector<16xi32>], vector<16xf32>,
    %get3A_159 = arith.constant 144 : index
    %get3A_160 = tpu.vector_load %arg7[%get3A_159] {strides = array<i32>} : memref<1024xi32, #tpu.memory_space<vmem>>, vector<16xi32>,
    %get3A_161 = arith.constant 144 : index
    %get3A_162 = tpu.vector_load %arg6[%get3A_161] {strides = array<i32>} : memref<1024xf32, #tpu.memory_space<vmem>>, vector<16xf32>,
    %gather3A_163 = tpu.vector_load_idx %arg9[%get3A_160] : memref<64xf32, #tpu.memory_space<vmem>>[vector<16xi32>], vector<16xf32>,
    %mul3A_164 = arith.mulf %get3A_162, %gather3A_163 : vector<16xf32>
    %add3A_165 = arith.constant 144 : i32
    %add3A_166 = vector.broadcast %add3A_165 : i32 to vector<16xi32>
    %add3A_167 = arith.addi %add3A_166, %iota3A : vector<16xi32>
    tpu.vector_store_idx %arg10[%get3A_160, %add3A_167], %mul3A_164 : memref<64x1024xf32, #tpu.memory_space<vmem>>[vector<16xi32>, vector<16xi32>], vector<16xf32>,
    %get3A_168 = arith.constant 160 : index
    %get3A_169 = tpu.vector_load %arg7[%get3A_168] {strides = array<i32>} : memref<1024xi32, #tpu.memory_space<vmem>>, vector<16xi32>,
    %get3A_170 = arith.constant 160 : index
    %get3A_171 = tpu.vector_load %arg6[%get3A_170] {strides = array<i32>} : memref<1024xf32, #tpu.memory_space<vmem>>, vector<16xf32>,
    %gather3A_172 = tpu.vector_load_idx %arg9[%get3A_169] : memref<64xf32, #tpu.memory_space<vmem>>[vector<16xi32>], vector<16xf32>,
    %mul3A_173 = arith.mulf %get3A_171, %gather3A_172 : vector<16xf32>
    %add3A_174 = arith.constant 160 : i32
    %add3A_175 = vector.broadcast %add3A_174 : i32 to vector<16xi32>
    %add3A_176 = arith.addi %add3A_175, %iota3A : vector<16xi32>
    tpu.vector_store_idx %arg10[%get3A_169, %add3A_176], %mul3A_173 : memref<64x1024xf32, #tpu.memory_space<vmem>>[vector<16xi32>, vector<16xi32>], vector<16xf32>,
    %get3A_177 = arith.constant 176 : index
    %get3A_178 = tpu.vector_load %arg7[%get3A_177] {strides = array<i32>} : memref<1024xi32, #tpu.memory_space<vmem>>, vector<16xi32>,
    %get3A_179 = arith.constant 176 : index
    %get3A_180 = tpu.vector_load %arg6[%get3A_179] {strides = array<i32>} : memref<1024xf32, #tpu.memory_space<vmem>>, vector<16xf32>,
    %gather3A_181 = tpu.vector_load_idx %arg9[%get3A_178] : memref<64xf32, #tpu.memory_space<vmem>>[vector<16xi32>], vector<16xf32>,
    %mul3A_182 = arith.mulf %get3A_180, %gather3A_181 : vector<16xf32>
    %add3A_183 = arith.constant 176 : i32
    %add3A_184 = vector.broadcast %add3A_183 : i32 to vector<16xi32>
    %add3A_185 = arith.addi %add3A_184, %iota3A : vector<16xi32>
    tpu.vector_store_idx %arg10[%get3A_178, %add3A_185], %mul3A_182 : memref<64x1024xf32, #tpu.memory_space<vmem>>[vector<16xi32>, vector<16xi32>], vector<16xf32>,
    %get3A_186 = arith.constant 192 : index
    %get3A_187 = tpu.vector_load %arg7[%get3A_186] {strides = array<i32>} : memref<1024xi32, #tpu.memory_space<vmem>>, vector<16xi32>,
    %get3A_188 = arith.constant 192 : index
    %get3A_189 = tpu.vector_load %arg6[%get3A_188] {strides = array<i32>} : memref<1024xf32, #tpu.memory_space<vmem>>, vector<16xf32>,
    %gather3A_190 = tpu.vector_load_idx %arg9[%get3A_187] : memref<64xf32, #tpu.memory_space<vmem>>[vector<16xi32>], vector<16xf32>,
    %mul3A_191 = arith.mulf %get3A_189, %gather3A_190 : vector<16xf32>
    %add3A_192 = arith.constant 192 : i32
    %add3A_193 = vector.broadcast %add3A_192 : i32 to vector<16xi32>
    %add3A_194 = arith.addi %add3A_193, %iota3A : vector<16xi32>
    tpu.vector_store_idx %arg10[%get3A_187, %add3A_194], %mul3A_191 : memref<64x1024xf32, #tpu.memory_space<vmem>>[vector<16xi32>, vector<16xi32>], vector<16xf32>,
    %get3A_195 = arith.constant 208 : index
    %get3A_196 = tpu.vector_load %arg7[%get3A_195] {strides = array<i32>} : memref<1024xi32, #tpu.memory_space<vmem>>, vector<16xi32>,
    %get3A_197 = arith.constant 208 : index
    %get3A_198 = tpu.vector_load %arg6[%get3A_197] {strides = array<i32>} : memref<1024xf32, #tpu.memory_space<vmem>>, vector<16xf32>,
    %gather3A_199 = tpu.vector_load_idx %arg9[%get3A_196] : memref<64xf32, #tpu.memory_space<vmem>>[vector<16xi32>], vector<16xf32>,
    %mul3A_200 = arith.mulf %get3A_198, %gather3A_199 : vector<16xf32>
    %add3A_201 = arith.constant 208 : i32
    %add3A_202 = vector.broadcast %add3A_201 : i32 to vector<16xi32>
    %add3A_203 = arith.addi %add3A_202, %iota3A : vector<16xi32>
    tpu.vector_store_idx %arg10[%get3A_196, %add3A_203], %mul3A_200 : memref<64x1024xf32, #tpu.memory_space<vmem>>[vector<16xi32>, vector<16xi32>], vector<16xf32>,
    %get3A_204 = arith.constant 224 : index
    %get3A_205 = tpu.vector_load %arg7[%get3A_204] {strides = array<i32>} : memref<1024xi32, #tpu.memory_space<vmem>>, vector<16xi32>,
    %get3A_206 = arith.constant 224 : index
    %get3A_207 = tpu.vector_load %arg6[%get3A_206] {strides = array<i32>} : memref<1024xf32, #tpu.memory_space<vmem>>, vector<16xf32>,
    %gather3A_208 = tpu.vector_load_idx %arg9[%get3A_205] : memref<64xf32, #tpu.memory_space<vmem>>[vector<16xi32>], vector<16xf32>,
    %mul3A_209 = arith.mulf %get3A_207, %gather3A_208 : vector<16xf32>
    %add3A_210 = arith.constant 224 : i32
    %add3A_211 = vector.broadcast %add3A_210 : i32 to vector<16xi32>
    %add3A_212 = arith.addi %add3A_211, %iota3A : vector<16xi32>
    tpu.vector_store_idx %arg10[%get3A_205, %add3A_212], %mul3A_209 : memref<64x1024xf32, #tpu.memory_space<vmem>>[vector<16xi32>, vector<16xi32>], vector<16xf32>,
    %get3A_213 = arith.constant 240 : index
    %get3A_214 = tpu.vector_load %arg7[%get3A_213] {strides = array<i32>} : memref<1024xi32, #tpu.memory_space<vmem>>, vector<16xi32>,
    %get3A_215 = arith.constant 240 : index
    %get3A_216 = tpu.vector_load %arg6[%get3A_215] {strides = array<i32>} : memref<1024xf32, #tpu.memory_space<vmem>>, vector<16xf32>,
    %gather3A_217 = tpu.vector_load_idx %arg9[%get3A_214] : memref<64xf32, #tpu.memory_space<vmem>>[vector<16xi32>], vector<16xf32>,
    %mul3A_218 = arith.mulf %get3A_216, %gather3A_217 : vector<16xf32>
    %add3A_219 = arith.constant 240 : i32
    %add3A_220 = vector.broadcast %add3A_219 : i32 to vector<16xi32>
    %add3A_221 = arith.addi %add3A_220, %iota3A : vector<16xi32>
    tpu.vector_store_idx %arg10[%get3A_214, %add3A_221], %mul3A_218 : memref<64x1024xf32, #tpu.memory_space<vmem>>[vector<16xi32>, vector<16xi32>], vector<16xf32>,
    %get3A_222 = arith.constant 256 : index
    %get3A_223 = tpu.vector_load %arg7[%get3A_222] {strides = array<i32>} : memref<1024xi32, #tpu.memory_space<vmem>>, vector<16xi32>,
    %get3A_224 = arith.constant 256 : index
    %get3A_225 = tpu.vector_load %arg6[%get3A_224] {strides = array<i32>} : memref<1024xf32, #tpu.memory_space<vmem>>, vector<16xf32>,
    %gather3A_226 = tpu.vector_load_idx %arg9[%get3A_223] : memref<64xf32, #tpu.memory_space<vmem>>[vector<16xi32>], vector<16xf32>,
    %mul3A_227 = arith.mulf %get3A_225, %gather3A_226 : vector<16xf32>
    %add3A_228 = arith.constant 256 : i32
    %add3A_229 = vector.broadcast %add3A_228 : i32 to vector<16xi32>
    %add3A_230 = arith.addi %add3A_229, %iota3A : vector<16xi32>
    tpu.vector_store_idx %arg10[%get3A_223, %add3A_230], %mul3A_227 : memref<64x1024xf32, #tpu.memory_space<vmem>>[vector<16xi32>, vector<16xi32>], vector<16xf32>,
    %get3A_231 = arith.constant 272 : index
    %get3A_232 = tpu.vector_load %arg7[%get3A_231] {strides = array<i32>} : memref<1024xi32, #tpu.memory_space<vmem>>, vector<16xi32>,
    %get3A_233 = arith.constant 272 : index
    %get3A_234 = tpu.vector_load %arg6[%get3A_233] {strides = array<i32>} : memref<1024xf32, #tpu.memory_space<vmem>>, vector<16xf32>,
    %gather3A_235 = tpu.vector_load_idx %arg9[%get3A_232] : memref<64xf32, #tpu.memory_space<vmem>>[vector<16xi32>], vector<16xf32>,
    %mul3A_236 = arith.mulf %get3A_234, %gather3A_235 : vector<16xf32>
    %add3A_237 = arith.constant 272 : i32
    %add3A_238 = vector.broadcast %add3A_237 : i32 to vector<16xi32>
    %add3A_239 = arith.addi %add3A_238, %iota3A : vector<16xi32>
    tpu.vector_store_idx %arg10[%get3A_232, %add3A_239], %mul3A_236 : memref<64x1024xf32, #tpu.memory_space<vmem>>[vector<16xi32>, vector<16xi32>], vector<16xf32>,
    %get3A_240 = arith.constant 288 : index
    %get3A_241 = tpu.vector_load %arg7[%get3A_240] {strides = array<i32>} : memref<1024xi32, #tpu.memory_space<vmem>>, vector<16xi32>,
    %get3A_242 = arith.constant 288 : index
    %get3A_243 = tpu.vector_load %arg6[%get3A_242] {strides = array<i32>} : memref<1024xf32, #tpu.memory_space<vmem>>, vector<16xf32>,
    %gather3A_244 = tpu.vector_load_idx %arg9[%get3A_241] : memref<64xf32, #tpu.memory_space<vmem>>[vector<16xi32>], vector<16xf32>,
    %mul3A_245 = arith.mulf %get3A_243, %gather3A_244 : vector<16xf32>
    %add3A_246 = arith.constant 288 : i32
    %add3A_247 = vector.broadcast %add3A_246 : i32 to vector<16xi32>
    %add3A_248 = arith.addi %add3A_247, %iota3A : vector<16xi32>
    tpu.vector_store_idx %arg10[%get3A_241, %add3A_248], %mul3A_245 : memref<64x1024xf32, #tpu.memory_space<vmem>>[vector<16xi32>, vector<16xi32>], vector<16xf32>,
    %get3A_249 = arith.constant 304 : index
    %get3A_250 = tpu.vector_load %arg7[%get3A_249] {strides = array<i32>} : memref<1024xi32, #tpu.memory_space<vmem>>, vector<16xi32>,
    %get3A_251 = arith.constant 304 : index
    %get3A_252 = tpu.vector_load %arg6[%get3A_251] {strides = array<i32>} : memref<1024xf32, #tpu.memory_space<vmem>>, vector<16xf32>,
    %gather3A_253 = tpu.vector_load_idx %arg9[%get3A_250] : memref<64xf32, #tpu.memory_space<vmem>>[vector<16xi32>], vector<16xf32>,
    %mul3A_254 = arith.mulf %get3A_252, %gather3A_253 : vector<16xf32>
    %add3A_255 = arith.constant 304 : i32
    %add3A_256 = vector.broadcast %add3A_255 : i32 to vector<16xi32>
    %add3A_257 = arith.addi %add3A_256, %iota3A : vector<16xi32>
    tpu.vector_store_idx %arg10[%get3A_250, %add3A_257], %mul3A_254 : memref<64x1024xf32, #tpu.memory_space<vmem>>[vector<16xi32>, vector<16xi32>], vector<16xf32>,
    %get3A_258 = arith.constant 320 : index
    %get3A_259 = tpu.vector_load %arg7[%get3A_258] {strides = array<i32>} : memref<1024xi32, #tpu.memory_space<vmem>>, vector<16xi32>,
    %get3A_260 = arith.constant 320 : index
    %get3A_261 = tpu.vector_load %arg6[%get3A_260] {strides = array<i32>} : memref<1024xf32, #tpu.memory_space<vmem>>, vector<16xf32>,
    %gather3A_262 = tpu.vector_load_idx %arg9[%get3A_259] : memref<64xf32, #tpu.memory_space<vmem>>[vector<16xi32>], vector<16xf32>,
    %mul3A_263 = arith.mulf %get3A_261, %gather3A_262 : vector<16xf32>
    %add3A_264 = arith.constant 320 : i32
    %add3A_265 = vector.broadcast %add3A_264 : i32 to vector<16xi32>
    %add3A_266 = arith.addi %add3A_265, %iota3A : vector<16xi32>
    tpu.vector_store_idx %arg10[%get3A_259, %add3A_266], %mul3A_263 : memref<64x1024xf32, #tpu.memory_space<vmem>>[vector<16xi32>, vector<16xi32>], vector<16xf32>,
    %get3A_267 = arith.constant 336 : index
    %get3A_268 = tpu.vector_load %arg7[%get3A_267] {strides = array<i32>} : memref<1024xi32, #tpu.memory_space<vmem>>, vector<16xi32>,
    %get3A_269 = arith.constant 336 : index
    %get3A_270 = tpu.vector_load %arg6[%get3A_269] {strides = array<i32>} : memref<1024xf32, #tpu.memory_space<vmem>>, vector<16xf32>,
    %gather3A_271 = tpu.vector_load_idx %arg9[%get3A_268] : memref<64xf32, #tpu.memory_space<vmem>>[vector<16xi32>], vector<16xf32>,
    %mul3A_272 = arith.mulf %get3A_270, %gather3A_271 : vector<16xf32>
    %add3A_273 = arith.constant 336 : i32
    %add3A_274 = vector.broadcast %add3A_273 : i32 to vector<16xi32>
    %add3A_275 = arith.addi %add3A_274, %iota3A : vector<16xi32>
    tpu.vector_store_idx %arg10[%get3A_268, %add3A_275], %mul3A_272 : memref<64x1024xf32, #tpu.memory_space<vmem>>[vector<16xi32>, vector<16xi32>], vector<16xf32>,
    %get3A_276 = arith.constant 352 : index
    %get3A_277 = tpu.vector_load %arg7[%get3A_276] {strides = array<i32>} : memref<1024xi32, #tpu.memory_space<vmem>>, vector<16xi32>,
    %get3A_278 = arith.constant 352 : index
    %get3A_279 = tpu.vector_load %arg6[%get3A_278] {strides = array<i32>} : memref<1024xf32, #tpu.memory_space<vmem>>, vector<16xf32>,
    %gather3A_280 = tpu.vector_load_idx %arg9[%get3A_277] : memref<64xf32, #tpu.memory_space<vmem>>[vector<16xi32>], vector<16xf32>,
    %mul3A_281 = arith.mulf %get3A_279, %gather3A_280 : vector<16xf32>
    %add3A_282 = arith.constant 352 : i32
    %add3A_283 = vector.broadcast %add3A_282 : i32 to vector<16xi32>
    %add3A_284 = arith.addi %add3A_283, %iota3A : vector<16xi32>
    tpu.vector_store_idx %arg10[%get3A_277, %add3A_284], %mul3A_281 : memref<64x1024xf32, #tpu.memory_space<vmem>>[vector<16xi32>, vector<16xi32>], vector<16xf32>,
    %get3A_285 = arith.constant 368 : index
    %get3A_286 = tpu.vector_load %arg7[%get3A_285] {strides = array<i32>} : memref<1024xi32, #tpu.memory_space<vmem>>, vector<16xi32>,
    %get3A_287 = arith.constant 368 : index
    %get3A_288 = tpu.vector_load %arg6[%get3A_287] {strides = array<i32>} : memref<1024xf32, #tpu.memory_space<vmem>>, vector<16xf32>,
    %gather3A_289 = tpu.vector_load_idx %arg9[%get3A_286] : memref<64xf32, #tpu.memory_space<vmem>>[vector<16xi32>], vector<16xf32>,
    %mul3A_290 = arith.mulf %get3A_288, %gather3A_289 : vector<16xf32>
    %add3A_291 = arith.constant 368 : i32
    %add3A_292 = vector.broadcast %add3A_291 : i32 to vector<16xi32>
    %add3A_293 = arith.addi %add3A_292, %iota3A : vector<16xi32>
    tpu.vector_store_idx %arg10[%get3A_286, %add3A_293], %mul3A_290 : memref<64x1024xf32, #tpu.memory_space<vmem>>[vector<16xi32>, vector<16xi32>], vector<16xf32>,
    %get3A_294 = arith.constant 384 : index
    %get3A_295 = tpu.vector_load %arg7[%get3A_294] {strides = array<i32>} : memref<1024xi32, #tpu.memory_space<vmem>>, vector<16xi32>,
    %get3A_296 = arith.constant 384 : index
    %get3A_297 = tpu.vector_load %arg6[%get3A_296] {strides = array<i32>} : memref<1024xf32, #tpu.memory_space<vmem>>, vector<16xf32>,
    %gather3A_298 = tpu.vector_load_idx %arg9[%get3A_295] : memref<64xf32, #tpu.memory_space<vmem>>[vector<16xi32>], vector<16xf32>,
    %mul3A_299 = arith.mulf %get3A_297, %gather3A_298 : vector<16xf32>
    %add3A_300 = arith.constant 384 : i32
    %add3A_301 = vector.broadcast %add3A_300 : i32 to vector<16xi32>
    %add3A_302 = arith.addi %add3A_301, %iota3A : vector<16xi32>
    tpu.vector_store_idx %arg10[%get3A_295, %add3A_302], %mul3A_299 : memref<64x1024xf32, #tpu.memory_space<vmem>>[vector<16xi32>, vector<16xi32>], vector<16xf32>,
    %get3A_303 = arith.constant 400 : index
    %get3A_304 = tpu.vector_load %arg7[%get3A_303] {strides = array<i32>} : memref<1024xi32, #tpu.memory_space<vmem>>, vector<16xi32>,
    %get3A_305 = arith.constant 400 : index
    %get3A_306 = tpu.vector_load %arg6[%get3A_305] {strides = array<i32>} : memref<1024xf32, #tpu.memory_space<vmem>>, vector<16xf32>,
    %gather3A_307 = tpu.vector_load_idx %arg9[%get3A_304] : memref<64xf32, #tpu.memory_space<vmem>>[vector<16xi32>], vector<16xf32>,
    %mul3A_308 = arith.mulf %get3A_306, %gather3A_307 : vector<16xf32>
    %add3A_309 = arith.constant 400 : i32
    %add3A_310 = vector.broadcast %add3A_309 : i32 to vector<16xi32>
    %add3A_311 = arith.addi %add3A_310, %iota3A : vector<16xi32>
    tpu.vector_store_idx %arg10[%get3A_304, %add3A_311], %mul3A_308 : memref<64x1024xf32, #tpu.memory_space<vmem>>[vector<16xi32>, vector<16xi32>], vector<16xf32>,
    %get3A_312 = arith.constant 416 : index
    %get3A_313 = tpu.vector_load %arg7[%get3A_312] {strides = array<i32>} : memref<1024xi32, #tpu.memory_space<vmem>>, vector<16xi32>,
    %get3A_314 = arith.constant 416 : index
    %get3A_315 = tpu.vector_load %arg6[%get3A_314] {strides = array<i32>} : memref<1024xf32, #tpu.memory_space<vmem>>, vector<16xf32>,
    %gather3A_316 = tpu.vector_load_idx %arg9[%get3A_313] : memref<64xf32, #tpu.memory_space<vmem>>[vector<16xi32>], vector<16xf32>,
    %mul3A_317 = arith.mulf %get3A_315, %gather3A_316 : vector<16xf32>
    %add3A_318 = arith.constant 416 : i32
    %add3A_319 = vector.broadcast %add3A_318 : i32 to vector<16xi32>
    %add3A_320 = arith.addi %add3A_319, %iota3A : vector<16xi32>
    tpu.vector_store_idx %arg10[%get3A_313, %add3A_320], %mul3A_317 : memref<64x1024xf32, #tpu.memory_space<vmem>>[vector<16xi32>, vector<16xi32>], vector<16xf32>,
    %get3A_321 = arith.constant 432 : index
    %get3A_322 = tpu.vector_load %arg7[%get3A_321] {strides = array<i32>} : memref<1024xi32, #tpu.memory_space<vmem>>, vector<16xi32>,
    %get3A_323 = arith.constant 432 : index
    %get3A_324 = tpu.vector_load %arg6[%get3A_323] {strides = array<i32>} : memref<1024xf32, #tpu.memory_space<vmem>>, vector<16xf32>,
    %gather3A_325 = tpu.vector_load_idx %arg9[%get3A_322] : memref<64xf32, #tpu.memory_space<vmem>>[vector<16xi32>], vector<16xf32>,
    %mul3A_326 = arith.mulf %get3A_324, %gather3A_325 : vector<16xf32>
    %add3A_327 = arith.constant 432 : i32
    %add3A_328 = vector.broadcast %add3A_327 : i32 to vector<16xi32>
    %add3A_329 = arith.addi %add3A_328, %iota3A : vector<16xi32>
    tpu.vector_store_idx %arg10[%get3A_322, %add3A_329], %mul3A_326 : memref<64x1024xf32, #tpu.memory_space<vmem>>[vector<16xi32>, vector<16xi32>], vector<16xf32>,
    %get3A_330 = arith.constant 448 : index
    %get3A_331 = tpu.vector_load %arg7[%get3A_330] {strides = array<i32>} : memref<1024xi32, #tpu.memory_space<vmem>>, vector<16xi32>,
    %get3A_332 = arith.constant 448 : index
    %get3A_333 = tpu.vector_load %arg6[%get3A_332] {strides = array<i32>} : memref<1024xf32, #tpu.memory_space<vmem>>, vector<16xf32>,
    %gather3A_334 = tpu.vector_load_idx %arg9[%get3A_331] : memref<64xf32, #tpu.memory_space<vmem>>[vector<16xi32>], vector<16xf32>,
    %mul3A_335 = arith.mulf %get3A_333, %gather3A_334 : vector<16xf32>
    %add3A_336 = arith.constant 448 : i32
    %add3A_337 = vector.broadcast %add3A_336 : i32 to vector<16xi32>
    %add3A_338 = arith.addi %add3A_337, %iota3A : vector<16xi32>
    tpu.vector_store_idx %arg10[%get3A_331, %add3A_338], %mul3A_335 : memref<64x1024xf32, #tpu.memory_space<vmem>>[vector<16xi32>, vector<16xi32>], vector<16xf32>,
    %get3A_339 = arith.constant 464 : index
    %get3A_340 = tpu.vector_load %arg7[%get3A_339] {strides = array<i32>} : memref<1024xi32, #tpu.memory_space<vmem>>, vector<16xi32>,
    %get3A_341 = arith.constant 464 : index
    %get3A_342 = tpu.vector_load %arg6[%get3A_341] {strides = array<i32>} : memref<1024xf32, #tpu.memory_space<vmem>>, vector<16xf32>,
    %gather3A_343 = tpu.vector_load_idx %arg9[%get3A_340] : memref<64xf32, #tpu.memory_space<vmem>>[vector<16xi32>], vector<16xf32>,
    %mul3A_344 = arith.mulf %get3A_342, %gather3A_343 : vector<16xf32>
    %add3A_345 = arith.constant 464 : i32
    %add3A_346 = vector.broadcast %add3A_345 : i32 to vector<16xi32>
    %add3A_347 = arith.addi %add3A_346, %iota3A : vector<16xi32>
    tpu.vector_store_idx %arg10[%get3A_340, %add3A_347], %mul3A_344 : memref<64x1024xf32, #tpu.memory_space<vmem>>[vector<16xi32>, vector<16xi32>], vector<16xf32>,
    %get3A_348 = arith.constant 480 : index
    %get3A_349 = tpu.vector_load %arg7[%get3A_348] {strides = array<i32>} : memref<1024xi32, #tpu.memory_space<vmem>>, vector<16xi32>,
    %get3A_350 = arith.constant 480 : index
    %get3A_351 = tpu.vector_load %arg6[%get3A_350] {strides = array<i32>} : memref<1024xf32, #tpu.memory_space<vmem>>, vector<16xf32>,
    %gather3A_352 = tpu.vector_load_idx %arg9[%get3A_349] : memref<64xf32, #tpu.memory_space<vmem>>[vector<16xi32>], vector<16xf32>,
    %mul3A_353 = arith.mulf %get3A_351, %gather3A_352 : vector<16xf32>
    %add3A_354 = arith.constant 480 : i32
    %add3A_355 = vector.broadcast %add3A_354 : i32 to vector<16xi32>
    %add3A_356 = arith.addi %add3A_355, %iota3A : vector<16xi32>
    tpu.vector_store_idx %arg10[%get3A_349, %add3A_356], %mul3A_353 : memref<64x1024xf32, #tpu.memory_space<vmem>>[vector<16xi32>, vector<16xi32>], vector<16xf32>,
    %get3A_357 = arith.constant 496 : index
    %get3A_358 = tpu.vector_load %arg7[%get3A_357] {strides = array<i32>} : memref<1024xi32, #tpu.memory_space<vmem>>, vector<16xi32>,
    %get3A_359 = arith.constant 496 : index
    %get3A_360 = tpu.vector_load %arg6[%get3A_359] {strides = array<i32>} : memref<1024xf32, #tpu.memory_space<vmem>>, vector<16xf32>,
    %gather3A_361 = tpu.vector_load_idx %arg9[%get3A_358] : memref<64xf32, #tpu.memory_space<vmem>>[vector<16xi32>], vector<16xf32>,
    %mul3A_362 = arith.mulf %get3A_360, %gather3A_361 : vector<16xf32>
    %add3A_363 = arith.constant 496 : i32
    %add3A_364 = vector.broadcast %add3A_363 : i32 to vector<16xi32>
    %add3A_365 = arith.addi %add3A_364, %iota3A : vector<16xi32>
    tpu.vector_store_idx %arg10[%get3A_358, %add3A_365], %mul3A_362 : memref<64x1024xf32, #tpu.memory_space<vmem>>[vector<16xi32>, vector<16xi32>], vector<16xf32>,
    %get3A_366 = arith.constant 512 : index
    %get3A_367 = tpu.vector_load %arg7[%get3A_366] {strides = array<i32>} : memref<1024xi32, #tpu.memory_space<vmem>>, vector<16xi32>,
    %get3A_368 = arith.constant 512 : index
    %get3A_369 = tpu.vector_load %arg6[%get3A_368] {strides = array<i32>} : memref<1024xf32, #tpu.memory_space<vmem>>, vector<16xf32>,
    %gather3A_370 = tpu.vector_load_idx %arg9[%get3A_367] : memref<64xf32, #tpu.memory_space<vmem>>[vector<16xi32>], vector<16xf32>,
    %mul3A_371 = arith.mulf %get3A_369, %gather3A_370 : vector<16xf32>
    %add3A_372 = arith.constant 512 : i32
    %add3A_373 = vector.broadcast %add3A_372 : i32 to vector<16xi32>
    %add3A_374 = arith.addi %add3A_373, %iota3A : vector<16xi32>
    tpu.vector_store_idx %arg10[%get3A_367, %add3A_374], %mul3A_371 : memref<64x1024xf32, #tpu.memory_space<vmem>>[vector<16xi32>, vector<16xi32>], vector<16xf32>,
    %get3A_375 = arith.constant 528 : index
    %get3A_376 = tpu.vector_load %arg7[%get3A_375] {strides = array<i32>} : memref<1024xi32, #tpu.memory_space<vmem>>, vector<16xi32>,
    %get3A_377 = arith.constant 528 : index
    %get3A_378 = tpu.vector_load %arg6[%get3A_377] {strides = array<i32>} : memref<1024xf32, #tpu.memory_space<vmem>>, vector<16xf32>,
    %gather3A_379 = tpu.vector_load_idx %arg9[%get3A_376] : memref<64xf32, #tpu.memory_space<vmem>>[vector<16xi32>], vector<16xf32>,
    %mul3A_380 = arith.mulf %get3A_378, %gather3A_379 : vector<16xf32>
    %add3A_381 = arith.constant 528 : i32
    %add3A_382 = vector.broadcast %add3A_381 : i32 to vector<16xi32>
    %add3A_383 = arith.addi %add3A_382, %iota3A : vector<16xi32>
    tpu.vector_store_idx %arg10[%get3A_376, %add3A_383], %mul3A_380 : memref<64x1024xf32, #tpu.memory_space<vmem>>[vector<16xi32>, vector<16xi32>], vector<16xf32>,
    %get3A_384 = arith.constant 544 : index
    %get3A_385 = tpu.vector_load %arg7[%get3A_384] {strides = array<i32>} : memref<1024xi32, #tpu.memory_space<vmem>>, vector<16xi32>,
    %get3A_386 = arith.constant 544 : index
    %get3A_387 = tpu.vector_load %arg6[%get3A_386] {strides = array<i32>} : memref<1024xf32, #tpu.memory_space<vmem>>, vector<16xf32>,
    %gather3A_388 = tpu.vector_load_idx %arg9[%get3A_385] : memref<64xf32, #tpu.memory_space<vmem>>[vector<16xi32>], vector<16xf32>,
    %mul3A_389 = arith.mulf %get3A_387, %gather3A_388 : vector<16xf32>
    %add3A_390 = arith.constant 544 : i32
    %add3A_391 = vector.broadcast %add3A_390 : i32 to vector<16xi32>
    %add3A_392 = arith.addi %add3A_391, %iota3A : vector<16xi32>
    tpu.vector_store_idx %arg10[%get3A_385, %add3A_392], %mul3A_389 : memref<64x1024xf32, #tpu.memory_space<vmem>>[vector<16xi32>, vector<16xi32>], vector<16xf32>,
    %get3A_393 = arith.constant 560 : index
    %get3A_394 = tpu.vector_load %arg7[%get3A_393] {strides = array<i32>} : memref<1024xi32, #tpu.memory_space<vmem>>, vector<16xi32>,
    %get3A_395 = arith.constant 560 : index
    %get3A_396 = tpu.vector_load %arg6[%get3A_395] {strides = array<i32>} : memref<1024xf32, #tpu.memory_space<vmem>>, vector<16xf32>,
    %gather3A_397 = tpu.vector_load_idx %arg9[%get3A_394] : memref<64xf32, #tpu.memory_space<vmem>>[vector<16xi32>], vector<16xf32>,
    %mul3A_398 = arith.mulf %get3A_396, %gather3A_397 : vector<16xf32>
    %add3A_399 = arith.constant 560 : i32
    %add3A_400 = vector.broadcast %add3A_399 : i32 to vector<16xi32>
    %add3A_401 = arith.addi %add3A_400, %iota3A : vector<16xi32>
    tpu.vector_store_idx %arg10[%get3A_394, %add3A_401], %mul3A_398 : memref<64x1024xf32, #tpu.memory_space<vmem>>[vector<16xi32>, vector<16xi32>], vector<16xf32>,
    %get3A_402 = arith.constant 576 : index
    %get3A_403 = tpu.vector_load %arg7[%get3A_402] {strides = array<i32>} : memref<1024xi32, #tpu.memory_space<vmem>>, vector<16xi32>,
    %get3A_404 = arith.constant 576 : index
    %get3A_405 = tpu.vector_load %arg6[%get3A_404] {strides = array<i32>} : memref<1024xf32, #tpu.memory_space<vmem>>, vector<16xf32>,
    %gather3A_406 = tpu.vector_load_idx %arg9[%get3A_403] : memref<64xf32, #tpu.memory_space<vmem>>[vector<16xi32>], vector<16xf32>,
    %mul3A_407 = arith.mulf %get3A_405, %gather3A_406 : vector<16xf32>
    %add3A_408 = arith.constant 576 : i32
    %add3A_409 = vector.broadcast %add3A_408 : i32 to vector<16xi32>
    %add3A_410 = arith.addi %add3A_409, %iota3A : vector<16xi32>
    tpu.vector_store_idx %arg10[%get3A_403, %add3A_410], %mul3A_407 : memref<64x1024xf32, #tpu.memory_space<vmem>>[vector<16xi32>, vector<16xi32>], vector<16xf32>,
    %get3A_411 = arith.constant 592 : index
    %get3A_412 = tpu.vector_load %arg7[%get3A_411] {strides = array<i32>} : memref<1024xi32, #tpu.memory_space<vmem>>, vector<16xi32>,
    %get3A_413 = arith.constant 592 : index
    %get3A_414 = tpu.vector_load %arg6[%get3A_413] {strides = array<i32>} : memref<1024xf32, #tpu.memory_space<vmem>>, vector<16xf32>,
    %gather3A_415 = tpu.vector_load_idx %arg9[%get3A_412] : memref<64xf32, #tpu.memory_space<vmem>>[vector<16xi32>], vector<16xf32>,
    %mul3A_416 = arith.mulf %get3A_414, %gather3A_415 : vector<16xf32>
    %add3A_417 = arith.constant 592 : i32
    %add3A_418 = vector.broadcast %add3A_417 : i32 to vector<16xi32>
    %add3A_419 = arith.addi %add3A_418, %iota3A : vector<16xi32>
    tpu.vector_store_idx %arg10[%get3A_412, %add3A_419], %mul3A_416 : memref<64x1024xf32, #tpu.memory_space<vmem>>[vector<16xi32>, vector<16xi32>], vector<16xf32>,
    %get3A_420 = arith.constant 608 : index
    %get3A_421 = tpu.vector_load %arg7[%get3A_420] {strides = array<i32>} : memref<1024xi32, #tpu.memory_space<vmem>>, vector<16xi32>,
    %get3A_422 = arith.constant 608 : index
    %get3A_423 = tpu.vector_load %arg6[%get3A_422] {strides = array<i32>} : memref<1024xf32, #tpu.memory_space<vmem>>, vector<16xf32>,
    %gather3A_424 = tpu.vector_load_idx %arg9[%get3A_421] : memref<64xf32, #tpu.memory_space<vmem>>[vector<16xi32>], vector<16xf32>,
    %mul3A_425 = arith.mulf %get3A_423, %gather3A_424 : vector<16xf32>
    %add3A_426 = arith.constant 608 : i32
    %add3A_427 = vector.broadcast %add3A_426 : i32 to vector<16xi32>
    %add3A_428 = arith.addi %add3A_427, %iota3A : vector<16xi32>
    tpu.vector_store_idx %arg10[%get3A_421, %add3A_428], %mul3A_425 : memref<64x1024xf32, #tpu.memory_space<vmem>>[vector<16xi32>, vector<16xi32>], vector<16xf32>,
    %get3A_429 = arith.constant 624 : index
    %get3A_430 = tpu.vector_load %arg7[%get3A_429] {strides = array<i32>} : memref<1024xi32, #tpu.memory_space<vmem>>, vector<16xi32>,
    %get3A_431 = arith.constant 624 : index
    %get3A_432 = tpu.vector_load %arg6[%get3A_431] {strides = array<i32>} : memref<1024xf32, #tpu.memory_space<vmem>>, vector<16xf32>,
    %gather3A_433 = tpu.vector_load_idx %arg9[%get3A_430] : memref<64xf32, #tpu.memory_space<vmem>>[vector<16xi32>], vector<16xf32>,
    %mul3A_434 = arith.mulf %get3A_432, %gather3A_433 : vector<16xf32>
    %add3A_435 = arith.constant 624 : i32
    %add3A_436 = vector.broadcast %add3A_435 : i32 to vector<16xi32>
    %add3A_437 = arith.addi %add3A_436, %iota3A : vector<16xi32>
    tpu.vector_store_idx %arg10[%get3A_430, %add3A_437], %mul3A_434 : memref<64x1024xf32, #tpu.memory_space<vmem>>[vector<16xi32>, vector<16xi32>], vector<16xf32>,
    %get3A_438 = arith.constant 640 : index
    %get3A_439 = tpu.vector_load %arg7[%get3A_438] {strides = array<i32>} : memref<1024xi32, #tpu.memory_space<vmem>>, vector<16xi32>,
    %get3A_440 = arith.constant 640 : index
    %get3A_441 = tpu.vector_load %arg6[%get3A_440] {strides = array<i32>} : memref<1024xf32, #tpu.memory_space<vmem>>, vector<16xf32>,
    %gather3A_442 = tpu.vector_load_idx %arg9[%get3A_439] : memref<64xf32, #tpu.memory_space<vmem>>[vector<16xi32>], vector<16xf32>,
    %mul3A_443 = arith.mulf %get3A_441, %gather3A_442 : vector<16xf32>
    %add3A_444 = arith.constant 640 : i32
    %add3A_445 = vector.broadcast %add3A_444 : i32 to vector<16xi32>
    %add3A_446 = arith.addi %add3A_445, %iota3A : vector<16xi32>
    tpu.vector_store_idx %arg10[%get3A_439, %add3A_446], %mul3A_443 : memref<64x1024xf32, #tpu.memory_space<vmem>>[vector<16xi32>, vector<16xi32>], vector<16xf32>,
    %get3A_447 = arith.constant 656 : index
    %get3A_448 = tpu.vector_load %arg7[%get3A_447] {strides = array<i32>} : memref<1024xi32, #tpu.memory_space<vmem>>, vector<16xi32>,
    %get3A_449 = arith.constant 656 : index
    %get3A_450 = tpu.vector_load %arg6[%get3A_449] {strides = array<i32>} : memref<1024xf32, #tpu.memory_space<vmem>>, vector<16xf32>,
    %gather3A_451 = tpu.vector_load_idx %arg9[%get3A_448] : memref<64xf32, #tpu.memory_space<vmem>>[vector<16xi32>], vector<16xf32>,
    %mul3A_452 = arith.mulf %get3A_450, %gather3A_451 : vector<16xf32>
    %add3A_453 = arith.constant 656 : i32
    %add3A_454 = vector.broadcast %add3A_453 : i32 to vector<16xi32>
    %add3A_455 = arith.addi %add3A_454, %iota3A : vector<16xi32>
    tpu.vector_store_idx %arg10[%get3A_448, %add3A_455], %mul3A_452 : memref<64x1024xf32, #tpu.memory_space<vmem>>[vector<16xi32>, vector<16xi32>], vector<16xf32>,
    %get3A_456 = arith.constant 672 : index
    %get3A_457 = tpu.vector_load %arg7[%get3A_456] {strides = array<i32>} : memref<1024xi32, #tpu.memory_space<vmem>>, vector<16xi32>,
    %get3A_458 = arith.constant 672 : index
    %get3A_459 = tpu.vector_load %arg6[%get3A_458] {strides = array<i32>} : memref<1024xf32, #tpu.memory_space<vmem>>, vector<16xf32>,
    %gather3A_460 = tpu.vector_load_idx %arg9[%get3A_457] : memref<64xf32, #tpu.memory_space<vmem>>[vector<16xi32>], vector<16xf32>,
    %mul3A_461 = arith.mulf %get3A_459, %gather3A_460 : vector<16xf32>
    %add3A_462 = arith.constant 672 : i32
    %add3A_463 = vector.broadcast %add3A_462 : i32 to vector<16xi32>
    %add3A_464 = arith.addi %add3A_463, %iota3A : vector<16xi32>
    tpu.vector_store_idx %arg10[%get3A_457, %add3A_464], %mul3A_461 : memref<64x1024xf32, #tpu.memory_space<vmem>>[vector<16xi32>, vector<16xi32>], vector<16xf32>,
    %get3A_465 = arith.constant 688 : index
    %get3A_466 = tpu.vector_load %arg7[%get3A_465] {strides = array<i32>} : memref<1024xi32, #tpu.memory_space<vmem>>, vector<16xi32>,
    %get3A_467 = arith.constant 688 : index
    %get3A_468 = tpu.vector_load %arg6[%get3A_467] {strides = array<i32>} : memref<1024xf32, #tpu.memory_space<vmem>>, vector<16xf32>,
    %gather3A_469 = tpu.vector_load_idx %arg9[%get3A_466] : memref<64xf32, #tpu.memory_space<vmem>>[vector<16xi32>], vector<16xf32>,
    %mul3A_470 = arith.mulf %get3A_468, %gather3A_469 : vector<16xf32>
    %add3A_471 = arith.constant 688 : i32
    %add3A_472 = vector.broadcast %add3A_471 : i32 to vector<16xi32>
    %add3A_473 = arith.addi %add3A_472, %iota3A : vector<16xi32>
    tpu.vector_store_idx %arg10[%get3A_466, %add3A_473], %mul3A_470 : memref<64x1024xf32, #tpu.memory_space<vmem>>[vector<16xi32>, vector<16xi32>], vector<16xf32>,
    %get3A_474 = arith.constant 704 : index
    %get3A_475 = tpu.vector_load %arg7[%get3A_474] {strides = array<i32>} : memref<1024xi32, #tpu.memory_space<vmem>>, vector<16xi32>,
    %get3A_476 = arith.constant 704 : index
    %get3A_477 = tpu.vector_load %arg6[%get3A_476] {strides = array<i32>} : memref<1024xf32, #tpu.memory_space<vmem>>, vector<16xf32>,
    %gather3A_478 = tpu.vector_load_idx %arg9[%get3A_475] : memref<64xf32, #tpu.memory_space<vmem>>[vector<16xi32>], vector<16xf32>,
    %mul3A_479 = arith.mulf %get3A_477, %gather3A_478 : vector<16xf32>
    %add3A_480 = arith.constant 704 : i32
    %add3A_481 = vector.broadcast %add3A_480 : i32 to vector<16xi32>
    %add3A_482 = arith.addi %add3A_481, %iota3A : vector<16xi32>
    tpu.vector_store_idx %arg10[%get3A_475, %add3A_482], %mul3A_479 : memref<64x1024xf32, #tpu.memory_space<vmem>>[vector<16xi32>, vector<16xi32>], vector<16xf32>,
    %get3A_483 = arith.constant 720 : index
    %get3A_484 = tpu.vector_load %arg7[%get3A_483] {strides = array<i32>} : memref<1024xi32, #tpu.memory_space<vmem>>, vector<16xi32>,
    %get3A_485 = arith.constant 720 : index
    %get3A_486 = tpu.vector_load %arg6[%get3A_485] {strides = array<i32>} : memref<1024xf32, #tpu.memory_space<vmem>>, vector<16xf32>,
    %gather3A_487 = tpu.vector_load_idx %arg9[%get3A_484] : memref<64xf32, #tpu.memory_space<vmem>>[vector<16xi32>], vector<16xf32>,
    %mul3A_488 = arith.mulf %get3A_486, %gather3A_487 : vector<16xf32>
    %add3A_489 = arith.constant 720 : i32
    %add3A_490 = vector.broadcast %add3A_489 : i32 to vector<16xi32>
    %add3A_491 = arith.addi %add3A_490, %iota3A : vector<16xi32>
    tpu.vector_store_idx %arg10[%get3A_484, %add3A_491], %mul3A_488 : memref<64x1024xf32, #tpu.memory_space<vmem>>[vector<16xi32>, vector<16xi32>], vector<16xf32>,
    %get3A_492 = arith.constant 736 : index
    %get3A_493 = tpu.vector_load %arg7[%get3A_492] {strides = array<i32>} : memref<1024xi32, #tpu.memory_space<vmem>>, vector<16xi32>,
    %get3A_494 = arith.constant 736 : index
    %get3A_495 = tpu.vector_load %arg6[%get3A_494] {strides = array<i32>} : memref<1024xf32, #tpu.memory_space<vmem>>, vector<16xf32>,
    %gather3A_496 = tpu.vector_load_idx %arg9[%get3A_493] : memref<64xf32, #tpu.memory_space<vmem>>[vector<16xi32>], vector<16xf32>,
    %mul3A_497 = arith.mulf %get3A_495, %gather3A_496 : vector<16xf32>
    %add3A_498 = arith.constant 736 : i32
    %add3A_499 = vector.broadcast %add3A_498 : i32 to vector<16xi32>
    %add3A_500 = arith.addi %add3A_499, %iota3A : vector<16xi32>
    tpu.vector_store_idx %arg10[%get3A_493, %add3A_500], %mul3A_497 : memref<64x1024xf32, #tpu.memory_space<vmem>>[vector<16xi32>, vector<16xi32>], vector<16xf32>,
    %get3A_501 = arith.constant 752 : index
    %get3A_502 = tpu.vector_load %arg7[%get3A_501] {strides = array<i32>} : memref<1024xi32, #tpu.memory_space<vmem>>, vector<16xi32>,
    %get3A_503 = arith.constant 752 : index
    %get3A_504 = tpu.vector_load %arg6[%get3A_503] {strides = array<i32>} : memref<1024xf32, #tpu.memory_space<vmem>>, vector<16xf32>,
    %gather3A_505 = tpu.vector_load_idx %arg9[%get3A_502] : memref<64xf32, #tpu.memory_space<vmem>>[vector<16xi32>], vector<16xf32>,
    %mul3A_506 = arith.mulf %get3A_504, %gather3A_505 : vector<16xf32>
    %add3A_507 = arith.constant 752 : i32
    %add3A_508 = vector.broadcast %add3A_507 : i32 to vector<16xi32>
    %add3A_509 = arith.addi %add3A_508, %iota3A : vector<16xi32>
    tpu.vector_store_idx %arg10[%get3A_502, %add3A_509], %mul3A_506 : memref<64x1024xf32, #tpu.memory_space<vmem>>[vector<16xi32>, vector<16xi32>], vector<16xf32>,
    %get3A_510 = arith.constant 768 : index
    %get3A_511 = tpu.vector_load %arg7[%get3A_510] {strides = array<i32>} : memref<1024xi32, #tpu.memory_space<vmem>>, vector<16xi32>,
    %get3A_512 = arith.constant 768 : index
    %get3A_513 = tpu.vector_load %arg6[%get3A_512] {strides = array<i32>} : memref<1024xf32, #tpu.memory_space<vmem>>, vector<16xf32>,
    %gather3A_514 = tpu.vector_load_idx %arg9[%get3A_511] : memref<64xf32, #tpu.memory_space<vmem>>[vector<16xi32>], vector<16xf32>,
    %mul3A_515 = arith.mulf %get3A_513, %gather3A_514 : vector<16xf32>
    %add3A_516 = arith.constant 768 : i32
    %add3A_517 = vector.broadcast %add3A_516 : i32 to vector<16xi32>
    %add3A_518 = arith.addi %add3A_517, %iota3A : vector<16xi32>
    tpu.vector_store_idx %arg10[%get3A_511, %add3A_518], %mul3A_515 : memref<64x1024xf32, #tpu.memory_space<vmem>>[vector<16xi32>, vector<16xi32>], vector<16xf32>,
    %get3A_519 = arith.constant 784 : index
    %get3A_520 = tpu.vector_load %arg7[%get3A_519] {strides = array<i32>} : memref<1024xi32, #tpu.memory_space<vmem>>, vector<16xi32>,
    %get3A_521 = arith.constant 784 : index
    %get3A_522 = tpu.vector_load %arg6[%get3A_521] {strides = array<i32>} : memref<1024xf32, #tpu.memory_space<vmem>>, vector<16xf32>,
    %gather3A_523 = tpu.vector_load_idx %arg9[%get3A_520] : memref<64xf32, #tpu.memory_space<vmem>>[vector<16xi32>], vector<16xf32>,
    %mul3A_524 = arith.mulf %get3A_522, %gather3A_523 : vector<16xf32>
    %add3A_525 = arith.constant 784 : i32
    %add3A_526 = vector.broadcast %add3A_525 : i32 to vector<16xi32>
    %add3A_527 = arith.addi %add3A_526, %iota3A : vector<16xi32>
    tpu.vector_store_idx %arg10[%get3A_520, %add3A_527], %mul3A_524 : memref<64x1024xf32, #tpu.memory_space<vmem>>[vector<16xi32>, vector<16xi32>], vector<16xf32>,
    %get3A_528 = arith.constant 800 : index
    %get3A_529 = tpu.vector_load %arg7[%get3A_528] {strides = array<i32>} : memref<1024xi32, #tpu.memory_space<vmem>>, vector<16xi32>,
    %get3A_530 = arith.constant 800 : index
    %get3A_531 = tpu.vector_load %arg6[%get3A_530] {strides = array<i32>} : memref<1024xf32, #tpu.memory_space<vmem>>, vector<16xf32>,
    %gather3A_532 = tpu.vector_load_idx %arg9[%get3A_529] : memref<64xf32, #tpu.memory_space<vmem>>[vector<16xi32>], vector<16xf32>,
    %mul3A_533 = arith.mulf %get3A_531, %gather3A_532 : vector<16xf32>
    %add3A_534 = arith.constant 800 : i32
    %add3A_535 = vector.broadcast %add3A_534 : i32 to vector<16xi32>
    %add3A_536 = arith.addi %add3A_535, %iota3A : vector<16xi32>
    tpu.vector_store_idx %arg10[%get3A_529, %add3A_536], %mul3A_533 : memref<64x1024xf32, #tpu.memory_space<vmem>>[vector<16xi32>, vector<16xi32>], vector<16xf32>,
    %get3A_537 = arith.constant 816 : index
    %get3A_538 = tpu.vector_load %arg7[%get3A_537] {strides = array<i32>} : memref<1024xi32, #tpu.memory_space<vmem>>, vector<16xi32>,
    %get3A_539 = arith.constant 816 : index
    %get3A_540 = tpu.vector_load %arg6[%get3A_539] {strides = array<i32>} : memref<1024xf32, #tpu.memory_space<vmem>>, vector<16xf32>,
    %gather3A_541 = tpu.vector_load_idx %arg9[%get3A_538] : memref<64xf32, #tpu.memory_space<vmem>>[vector<16xi32>], vector<16xf32>,
    %mul3A_542 = arith.mulf %get3A_540, %gather3A_541 : vector<16xf32>
    %add3A_543 = arith.constant 816 : i32
    %add3A_544 = vector.broadcast %add3A_543 : i32 to vector<16xi32>
    %add3A_545 = arith.addi %add3A_544, %iota3A : vector<16xi32>
    tpu.vector_store_idx %arg10[%get3A_538, %add3A_545], %mul3A_542 : memref<64x1024xf32, #tpu.memory_space<vmem>>[vector<16xi32>, vector<16xi32>], vector<16xf32>,
    %get3A_546 = arith.constant 832 : index
    %get3A_547 = tpu.vector_load %arg7[%get3A_546] {strides = array<i32>} : memref<1024xi32, #tpu.memory_space<vmem>>, vector<16xi32>,
    %get3A_548 = arith.constant 832 : index
    %get3A_549 = tpu.vector_load %arg6[%get3A_548] {strides = array<i32>} : memref<1024xf32, #tpu.memory_space<vmem>>, vector<16xf32>,
    %gather3A_550 = tpu.vector_load_idx %arg9[%get3A_547] : memref<64xf32, #tpu.memory_space<vmem>>[vector<16xi32>], vector<16xf32>,
    %mul3A_551 = arith.mulf %get3A_549, %gather3A_550 : vector<16xf32>
    %add3A_552 = arith.constant 832 : i32
    %add3A_553 = vector.broadcast %add3A_552 : i32 to vector<16xi32>
    %add3A_554 = arith.addi %add3A_553, %iota3A : vector<16xi32>
    tpu.vector_store_idx %arg10[%get3A_547, %add3A_554], %mul3A_551 : memref<64x1024xf32, #tpu.memory_space<vmem>>[vector<16xi32>, vector<16xi32>], vector<16xf32>,
    %get3A_555 = arith.constant 848 : index
    %get3A_556 = tpu.vector_load %arg7[%get3A_555] {strides = array<i32>} : memref<1024xi32, #tpu.memory_space<vmem>>, vector<16xi32>,
    %get3A_557 = arith.constant 848 : index
    %get3A_558 = tpu.vector_load %arg6[%get3A_557] {strides = array<i32>} : memref<1024xf32, #tpu.memory_space<vmem>>, vector<16xf32>,
    %gather3A_559 = tpu.vector_load_idx %arg9[%get3A_556] : memref<64xf32, #tpu.memory_space<vmem>>[vector<16xi32>], vector<16xf32>,
    %mul3A_560 = arith.mulf %get3A_558, %gather3A_559 : vector<16xf32>
    %add3A_561 = arith.constant 848 : i32
    %add3A_562 = vector.broadcast %add3A_561 : i32 to vector<16xi32>
    %add3A_563 = arith.addi %add3A_562, %iota3A : vector<16xi32>
    tpu.vector_store_idx %arg10[%get3A_556, %add3A_563], %mul3A_560 : memref<64x1024xf32, #tpu.memory_space<vmem>>[vector<16xi32>, vector<16xi32>], vector<16xf32>,
    %get3A_564 = arith.constant 864 : index
    %get3A_565 = tpu.vector_load %arg7[%get3A_564] {strides = array<i32>} : memref<1024xi32, #tpu.memory_space<vmem>>, vector<16xi32>,
    %get3A_566 = arith.constant 864 : index
    %get3A_567 = tpu.vector_load %arg6[%get3A_566] {strides = array<i32>} : memref<1024xf32, #tpu.memory_space<vmem>>, vector<16xf32>,
    %gather3A_568 = tpu.vector_load_idx %arg9[%get3A_565] : memref<64xf32, #tpu.memory_space<vmem>>[vector<16xi32>], vector<16xf32>,
    %mul3A_569 = arith.mulf %get3A_567, %gather3A_568 : vector<16xf32>
    %add3A_570 = arith.constant 864 : i32
    %add3A_571 = vector.broadcast %add3A_570 : i32 to vector<16xi32>
    %add3A_572 = arith.addi %add3A_571, %iota3A : vector<16xi32>
    tpu.vector_store_idx %arg10[%get3A_565, %add3A_572], %mul3A_569 : memref<64x1024xf32, #tpu.memory_space<vmem>>[vector<16xi32>, vector<16xi32>], vector<16xf32>,
    %get3A_573 = arith.constant 880 : index
    %get3A_574 = tpu.vector_load %arg7[%get3A_573] {strides = array<i32>} : memref<1024xi32, #tpu.memory_space<vmem>>, vector<16xi32>,
    %get3A_575 = arith.constant 880 : index
    %get3A_576 = tpu.vector_load %arg6[%get3A_575] {strides = array<i32>} : memref<1024xf32, #tpu.memory_space<vmem>>, vector<16xf32>,
    %gather3A_577 = tpu.vector_load_idx %arg9[%get3A_574] : memref<64xf32, #tpu.memory_space<vmem>>[vector<16xi32>], vector<16xf32>,
    %mul3A_578 = arith.mulf %get3A_576, %gather3A_577 : vector<16xf32>
    %add3A_579 = arith.constant 880 : i32
    %add3A_580 = vector.broadcast %add3A_579 : i32 to vector<16xi32>
    %add3A_581 = arith.addi %add3A_580, %iota3A : vector<16xi32>
    tpu.vector_store_idx %arg10[%get3A_574, %add3A_581], %mul3A_578 : memref<64x1024xf32, #tpu.memory_space<vmem>>[vector<16xi32>, vector<16xi32>], vector<16xf32>,
    %get3A_582 = arith.constant 896 : index
    %get3A_583 = tpu.vector_load %arg7[%get3A_582] {strides = array<i32>} : memref<1024xi32, #tpu.memory_space<vmem>>, vector<16xi32>,
    %get3A_584 = arith.constant 896 : index
    %get3A_585 = tpu.vector_load %arg6[%get3A_584] {strides = array<i32>} : memref<1024xf32, #tpu.memory_space<vmem>>, vector<16xf32>,
    %gather3A_586 = tpu.vector_load_idx %arg9[%get3A_583] : memref<64xf32, #tpu.memory_space<vmem>>[vector<16xi32>], vector<16xf32>,
    %mul3A_587 = arith.mulf %get3A_585, %gather3A_586 : vector<16xf32>
    %add3A_588 = arith.constant 896 : i32
    %add3A_589 = vector.broadcast %add3A_588 : i32 to vector<16xi32>
    %add3A_590 = arith.addi %add3A_589, %iota3A : vector<16xi32>
    tpu.vector_store_idx %arg10[%get3A_583, %add3A_590], %mul3A_587 : memref<64x1024xf32, #tpu.memory_space<vmem>>[vector<16xi32>, vector<16xi32>], vector<16xf32>,
    %get3A_591 = arith.constant 912 : index
    %get3A_592 = tpu.vector_load %arg7[%get3A_591] {strides = array<i32>} : memref<1024xi32, #tpu.memory_space<vmem>>, vector<16xi32>,
    %get3A_593 = arith.constant 912 : index
    %get3A_594 = tpu.vector_load %arg6[%get3A_593] {strides = array<i32>} : memref<1024xf32, #tpu.memory_space<vmem>>, vector<16xf32>,
    %gather3A_595 = tpu.vector_load_idx %arg9[%get3A_592] : memref<64xf32, #tpu.memory_space<vmem>>[vector<16xi32>], vector<16xf32>,
    %mul3A_596 = arith.mulf %get3A_594, %gather3A_595 : vector<16xf32>
    %add3A_597 = arith.constant 912 : i32
    %add3A_598 = vector.broadcast %add3A_597 : i32 to vector<16xi32>
    %add3A_599 = arith.addi %add3A_598, %iota3A : vector<16xi32>
    tpu.vector_store_idx %arg10[%get3A_592, %add3A_599], %mul3A_596 : memref<64x1024xf32, #tpu.memory_space<vmem>>[vector<16xi32>, vector<16xi32>], vector<16xf32>,
    %get3A_600 = arith.constant 928 : index
    %get3A_601 = tpu.vector_load %arg7[%get3A_600] {strides = array<i32>} : memref<1024xi32, #tpu.memory_space<vmem>>, vector<16xi32>,
    %get3A_602 = arith.constant 928 : index
    %get3A_603 = tpu.vector_load %arg6[%get3A_602] {strides = array<i32>} : memref<1024xf32, #tpu.memory_space<vmem>>, vector<16xf32>,
    %gather3A_604 = tpu.vector_load_idx %arg9[%get3A_601] : memref<64xf32, #tpu.memory_space<vmem>>[vector<16xi32>], vector<16xf32>,
    %mul3A_605 = arith.mulf %get3A_603, %gather3A_604 : vector<16xf32>
    %add3A_606 = arith.constant 928 : i32
    %add3A_607 = vector.broadcast %add3A_606 : i32 to vector<16xi32>
    %add3A_608 = arith.addi %add3A_607, %iota3A : vector<16xi32>
    tpu.vector_store_idx %arg10[%get3A_601, %add3A_608], %mul3A_605 : memref<64x1024xf32, #tpu.memory_space<vmem>>[vector<16xi32>, vector<16xi32>], vector<16xf32>,
    %get3A_609 = arith.constant 944 : index
    %get3A_610 = tpu.vector_load %arg7[%get3A_609] {strides = array<i32>} : memref<1024xi32, #tpu.memory_space<vmem>>, vector<16xi32>,
    %get3A_611 = arith.constant 944 : index
    %get3A_612 = tpu.vector_load %arg6[%get3A_611] {strides = array<i32>} : memref<1024xf32, #tpu.memory_space<vmem>>, vector<16xf32>,
    %gather3A_613 = tpu.vector_load_idx %arg9[%get3A_610] : memref<64xf32, #tpu.memory_space<vmem>>[vector<16xi32>], vector<16xf32>,
    %mul3A_614 = arith.mulf %get3A_612, %gather3A_613 : vector<16xf32>
    %add3A_615 = arith.constant 944 : i32
    %add3A_616 = vector.broadcast %add3A_615 : i32 to vector<16xi32>
    %add3A_617 = arith.addi %add3A_616, %iota3A : vector<16xi32>
    tpu.vector_store_idx %arg10[%get3A_610, %add3A_617], %mul3A_614 : memref<64x1024xf32, #tpu.memory_space<vmem>>[vector<16xi32>, vector<16xi32>], vector<16xf32>,
    %get3A_618 = arith.constant 960 : index
    %get3A_619 = tpu.vector_load %arg7[%get3A_618] {strides = array<i32>} : memref<1024xi32, #tpu.memory_space<vmem>>, vector<16xi32>,
    %get3A_620 = arith.constant 960 : index
    %get3A_621 = tpu.vector_load %arg6[%get3A_620] {strides = array<i32>} : memref<1024xf32, #tpu.memory_space<vmem>>, vector<16xf32>,
    %gather3A_622 = tpu.vector_load_idx %arg9[%get3A_619] : memref<64xf32, #tpu.memory_space<vmem>>[vector<16xi32>], vector<16xf32>,
    %mul3A_623 = arith.mulf %get3A_621, %gather3A_622 : vector<16xf32>
    %add3A_624 = arith.constant 960 : i32
    %add3A_625 = vector.broadcast %add3A_624 : i32 to vector<16xi32>
    %add3A_626 = arith.addi %add3A_625, %iota3A : vector<16xi32>
    tpu.vector_store_idx %arg10[%get3A_619, %add3A_626], %mul3A_623 : memref<64x1024xf32, #tpu.memory_space<vmem>>[vector<16xi32>, vector<16xi32>], vector<16xf32>,
    %get3A_627 = arith.constant 976 : index
    %get3A_628 = tpu.vector_load %arg7[%get3A_627] {strides = array<i32>} : memref<1024xi32, #tpu.memory_space<vmem>>, vector<16xi32>,
    %get3A_629 = arith.constant 976 : index
    %get3A_630 = tpu.vector_load %arg6[%get3A_629] {strides = array<i32>} : memref<1024xf32, #tpu.memory_space<vmem>>, vector<16xf32>,
    %gather3A_631 = tpu.vector_load_idx %arg9[%get3A_628] : memref<64xf32, #tpu.memory_space<vmem>>[vector<16xi32>], vector<16xf32>,
    %mul3A_632 = arith.mulf %get3A_630, %gather3A_631 : vector<16xf32>
    %add3A_633 = arith.constant 976 : i32
    %add3A_634 = vector.broadcast %add3A_633 : i32 to vector<16xi32>
    %add3A_635 = arith.addi %add3A_634, %iota3A : vector<16xi32>
    tpu.vector_store_idx %arg10[%get3A_628, %add3A_635], %mul3A_632 : memref<64x1024xf32, #tpu.memory_space<vmem>>[vector<16xi32>, vector<16xi32>], vector<16xf32>,
    %get3A_636 = arith.constant 992 : index
    %get3A_637 = tpu.vector_load %arg7[%get3A_636] {strides = array<i32>} : memref<1024xi32, #tpu.memory_space<vmem>>, vector<16xi32>,
    %get3A_638 = arith.constant 992 : index
    %get3A_639 = tpu.vector_load %arg6[%get3A_638] {strides = array<i32>} : memref<1024xf32, #tpu.memory_space<vmem>>, vector<16xf32>,
    %gather3A_640 = tpu.vector_load_idx %arg9[%get3A_637] : memref<64xf32, #tpu.memory_space<vmem>>[vector<16xi32>], vector<16xf32>,
    %mul3A_641 = arith.mulf %get3A_639, %gather3A_640 : vector<16xf32>
    %add3A_642 = arith.constant 992 : i32
    %add3A_643 = vector.broadcast %add3A_642 : i32 to vector<16xi32>
    %add3A_644 = arith.addi %add3A_643, %iota3A : vector<16xi32>
    tpu.vector_store_idx %arg10[%get3A_637, %add3A_644], %mul3A_641 : memref<64x1024xf32, #tpu.memory_space<vmem>>[vector<16xi32>, vector<16xi32>], vector<16xf32>,
    %get3A_645 = arith.constant 1008 : index
    %get3A_646 = tpu.vector_load %arg7[%get3A_645] {strides = array<i32>} : memref<1024xi32, #tpu.memory_space<vmem>>, vector<16xi32>,
    %get3A_647 = arith.constant 1008 : index
    %get3A_648 = tpu.vector_load %arg6[%get3A_647] {strides = array<i32>} : memref<1024xf32, #tpu.memory_space<vmem>>, vector<16xf32>,
    %gather3A_649 = tpu.vector_load_idx %arg9[%get3A_646] : memref<64xf32, #tpu.memory_space<vmem>>[vector<16xi32>], vector<16xf32>,
    %mul3A_650 = arith.mulf %get3A_648, %gather3A_649 : vector<16xf32>
    %add3A_651 = arith.constant 1008 : i32
    %add3A_652 = vector.broadcast %add3A_651 : i32 to vector<16xi32>
    %add3A_653 = arith.addi %add3A_652, %iota3A : vector<16xi32>
    tpu.vector_store_idx %arg10[%get3A_646, %add3A_653], %mul3A_650 : memref<64x1024xf32, #tpu.memory_space<vmem>>[vector<16xi32>, vector<16xi32>], vector<16xf32>,
    %dma_start3A = arith.constant 0 : i32
    %dma_start3A_654 = tpu.memref_slice %arg5[%select_n3A, %dma_start3A, %mul3A_34] : memref<4x64x8192xf32, #tpu.memory_space<hbm>> -> memref<1x64x1024xf32, #tpu.memory_space<hbm>>
    %dma_start3A_655 = tpu.memref_squeeze %dma_start3A_654 : memref<1x64x1024xf32, #tpu.memory_space<hbm>> -> memref<64x1024xf32, #tpu.memory_space<hbm>>
    %dma_start3A_656 = arith.constant 0 : i32
    %dma_start3A_657 = tpu.memref_slice %arg5[%select_n3A, %dma_start3A_656, %mul3A_34] : memref<4x64x8192xf32, #tpu.memory_space<hbm>> -> memref<1x64x1024xf32, #tpu.memory_space<hbm>>
    %dma_start3A_658 = tpu.memref_squeeze %dma_start3A_657 : memref<1x64x1024xf32, #tpu.memory_space<hbm>> -> memref<64x1024xf32, #tpu.memory_space<hbm>>
    tpu.enqueue_dma source(%arg10 : memref<64x1024xf32, #tpu.memory_space<vmem>>) target(%dma_start3A_658 : memref<64x1024xf32, #tpu.memory_space<hbm>>) target_semaphore(%arg11 : memref<!tpu.dma_semaphore, #tpu.memory_space<semaphore_mem>>)
    %dma_wait3A = arith.constant 0 : i32
    %dma_wait3A_659 = tpu.memref_slice %arg5[%select_n3A, %dma_wait3A, %mul3A_34] : memref<4x64x8192xf32, #tpu.memory_space<hbm>> -> memref<1x64x1024xf32, #tpu.memory_space<hbm>>
    %dma_wait3A_660 = tpu.memref_squeeze %dma_wait3A_659 : memref<1x64x1024xf32, #tpu.memory_space<hbm>> -> memref<64x1024xf32, #tpu.memory_space<hbm>>
    %dma_wait3A_661 = arith.constant 0 : i32
    %dma_wait3A_662 = tpu.memref_slice %arg5[%select_n3A, %dma_wait3A_661, %mul3A_34] : memref<4x64x8192xf32, #tpu.memory_space<hbm>> -> memref<1x64x1024xf32, #tpu.memory_space<hbm>>
    %dma_wait3A_663 = tpu.memref_squeeze %dma_wait3A_662 : memref<1x64x1024xf32, #tpu.memory_space<hbm>> -> memref<64x1024xf32, #tpu.memory_space<hbm>>
    tpu.wait_dma2 semaphore(%arg11 : memref<!tpu.dma_semaphore, #tpu.memory_space<semaphore_mem>>) src(%arg10 : memref<64x1024xf32, #tpu.memory_space<vmem>>) dst(%dma_wait3A_663 : memref<64x1024xf32, #tpu.memory_space<hbm>>)
    return
  }
}

module attributes {stable_mosaic.version = 14 : i64} {
  func.func @_stage_a(%arg0: i32, %arg1: memref<1x4096x768xf32, #tpu.memory_space<vmem>>, %arg2: memref<64x768xf32, #tpu.memory_space<vmem>>, %arg3: memref<64x1xf32, #tpu.memory_space<vmem>>, %arg4: memref<1x1x4096xf32, #tpu.memory_space<vmem>>, %arg5: memref<1x1x4096xi32, #tpu.memory_space<vmem>>, %arg6: memref<64x1xf32, #tpu.memory_space<vmem>>) attributes {dimension_semantics = [#tpu.dimension_semantics<arbitrary>], iteration_bounds = array<i64: 8>, scalar_prefetch = 0 : i64, scratch_operands = 0 : i64, tpu.core_type = #tpu.core_type<tc>, window_params = [{transform_indices = @transform_0, window_bounds = array<i64: 1, 4096, 768>}, {pipeline_mode = #tpu.pipeline_mode<synchronous>, transform_indices = @transform_1, window_bounds = array<i64: 64, 768>}, {pipeline_mode = #tpu.pipeline_mode<synchronous>, transform_indices = @transform_2, window_bounds = array<i64: 64, 1>}, {transform_indices = @transform_3, window_bounds = array<i64: 1, 1, 4096>}, {transform_indices = @transform_4, window_bounds = array<i64: 1, 1, 4096>}, {pipeline_mode = #tpu.pipeline_mode<synchronous>, transform_indices = @transform_5, window_bounds = array<i64: 64, 1>}]} {
    %get3A = arith.constant 0 : index
    %get3A_0 = arith.constant 0 : index
    %get3A_1 = arith.constant 0 : index
    %get3A_2 = vector.load %arg1[%get3A, %get3A_0, %get3A_1] : memref<1x4096x768xf32, #tpu.memory_space<vmem>>, vector<1x4096x768xf32>
    %get3A_3 = vector.shape_cast %get3A_2 : vector<1x4096x768xf32> to vector<4096x768xf32>
    %get3A_4 = arith.constant 0 : index
    %get3A_5 = arith.constant 0 : index
    %get3A_6 = vector.load %arg2[%get3A_4, %get3A_5] : memref<64x768xf32, #tpu.memory_space<vmem>>, vector<64x768xf32>
    %dot_general3A = arith.constant dense<0.000000e+00> : vector<64x4096xf32>
    %dot_general3A_7 = tpu.matmul %get3A_6, %get3A_3, %dot_general3A {dimension_numbers = #tpu.dot_dimension_numbers<[1], [1], [0], [0], [0, 0, 1, 0], [], []>, transpose_lhs_hint = false} : vector<64x768xf32>, vector<4096x768xf32>, vector<64x4096xf32> -> vector<64x4096xf32>
    %get3A_8 = arith.constant 0 : index
    %get3A_9 = arith.constant 0 : index
    %get3A_10 = vector.load %arg3[%get3A_8, %get3A_9] : memref<64x1xf32, #tpu.memory_space<vmem>>, vector<64x1xf32>
    %add3A = vector.broadcast %get3A_10 : vector<64x1xf32> to vector<64x4096xf32>
    %add3A_11 = arith.addf %dot_general3A_7, %add3A : vector<64x4096xf32>
    %reduce_max3A = arith.constant dense<0xFF800000> : vector<4096xf32>
    %reduce_max3A_12 = vector.multi_reduction <maximumf>, %add3A_11, %reduce_max3A [0] : vector<64x4096xf32> to vector<4096xf32>
    %broadcast_in_dim3A = vector.shape_cast %reduce_max3A_12 : vector<4096xf32> to vector<1x4096xf32>
    %iota3A = tpu.iota {dimensions = array<i32: 0>} : vector<64x4096xi32>
    %eq3A = vector.broadcast %broadcast_in_dim3A : vector<1x4096xf32> to vector<64x4096xf32>
    %eq3A_13 = arith.cmpf oeq, %add3A_11, %eq3A : vector<64x4096xf32>
    %jit3A = arith.constant 64 : i32
    %broadcast_in_dim3A_14 = vector.broadcast %jit3A : i32 to vector<64x4096xi32>
    %select_n3A = arith.select %eq3A_13, %iota3A, %broadcast_in_dim3A_14 : vector<64x4096xi1>, vector<64x4096xi32>
    %reduce_min3A = arith.constant dense<2147483647> : vector<4096xi32>
    %reduce_min3A_15 = vector.multi_reduction <minsi>, %select_n3A, %reduce_min3A [0] : vector<64x4096xi32> to vector<4096xi32>
    %sub3A = vector.broadcast %broadcast_in_dim3A : vector<1x4096xf32> to vector<64x4096xf32>
    %sub3A_16 = arith.subf %add3A_11, %sub3A : vector<64x4096xf32>
    %exp3A = math.exp %sub3A_16 : vector<64x4096xf32>
    %reduce_sum3A = arith.constant dense<0.000000e+00> : vector<4096xf32>
    %reduce_sum3A_17 = vector.multi_reduction <add>, %exp3A, %reduce_sum3A [0] : vector<64x4096xf32> to vector<4096xf32>
    %div3A = arith.constant 1.000000e+00 : f32
    %div3A_18 = vector.broadcast %div3A : f32 to vector<4096xf32>
    %div3A_19 = arith.divf %div3A_18, %reduce_sum3A_17 : vector<4096xf32>
    %swap3A = arith.constant 0 : index
    %swap3A_20 = arith.constant 0 : index
    %swap3A_21 = arith.constant 0 : index
    %swap3A_22 = vector.load %arg4[%swap3A, %swap3A_20, %swap3A_21] : memref<1x1x4096xf32, #tpu.memory_space<vmem>>, vector<1x1x4096xf32>
    %swap3A_23 = vector.shape_cast %swap3A_22 : vector<1x1x4096xf32> to vector<4096xf32>
    %swap3A_24 = vector.shape_cast %div3A_19 : vector<4096xf32> to vector<1x1x4096xf32>
    tpu.vector_store %arg4[%swap3A, %swap3A_20, %swap3A_21], %swap3A_24 {strides = array<i32>} : memref<1x1x4096xf32, #tpu.memory_space<vmem>>, vector<1x1x4096xf32>,
    %swap3A_25 = arith.constant 0 : index
    %swap3A_26 = arith.constant 0 : index
    %swap3A_27 = arith.constant 0 : index
    %swap3A_28 = vector.load %arg5[%swap3A_25, %swap3A_26, %swap3A_27] : memref<1x1x4096xi32, #tpu.memory_space<vmem>>, vector<1x1x4096xi32>
    %swap3A_29 = vector.shape_cast %swap3A_28 : vector<1x1x4096xi32> to vector<4096xi32>
    %swap3A_30 = vector.shape_cast %reduce_min3A_15 : vector<4096xi32> to vector<1x1x4096xi32>
    tpu.vector_store %arg5[%swap3A_25, %swap3A_26, %swap3A_27], %swap3A_30 {strides = array<i32>} : memref<1x1x4096xi32, #tpu.memory_space<vmem>>, vector<1x1x4096xi32>,
    %broadcast_in_dim3A_31 = vector.shape_cast %reduce_min3A_15 : vector<4096xi32> to vector<1x4096xi32>
    %eq3A_32 = vector.broadcast %broadcast_in_dim3A_31 : vector<1x4096xi32> to vector<64x4096xi32>
    %eq3A_33 = arith.cmpi eq, %iota3A, %eq3A_32 : vector<64x4096xi32>
    %convert_element_type3A = arith.extui %eq3A_33 : vector<64x4096xi1> to vector<64x4096xi32>
    %convert_element_type3A_34 = arith.sitofp %convert_element_type3A : vector<64x4096xi32> to vector<64x4096xf32>
    %broadcast_in_dim3A_35 = vector.shape_cast %div3A_19 : vector<4096xf32> to vector<1x4096xf32>
    %mul3A = vector.broadcast %broadcast_in_dim3A_35 : vector<1x4096xf32> to vector<64x4096xf32>
    %mul3A_36 = arith.mulf %convert_element_type3A_34, %mul3A : vector<64x4096xf32>
    %broadcast_in_dim3A_37 = arith.constant 1.000000e+00 : f32
    %broadcast_in_dim3A_38 = vector.broadcast %broadcast_in_dim3A_37 : f32 to vector<4096x1xf32>
    %dot_general3A_39 = arith.constant dense<0.000000e+00> : vector<64x1xf32>
    %dot_general3A_40 = tpu.matmul %mul3A_36, %broadcast_in_dim3A_38, %dot_general3A_39 {dimension_numbers = #tpu.dot_dimension_numbers<[1], [0], [0], [1], [0, 0, 1, 1], [], []>, transpose_lhs_hint = false} : vector<64x4096xf32>, vector<4096x1xf32>, vector<64x1xf32> -> vector<64x1xf32>
    %eq3A_41 = arith.constant 0 : i32
    %eq3A_42 = arith.cmpi eq, %arg0, %eq3A_41 : i32
    %convert_element_type3A_43 = arith.extui %eq3A_42 : i1 to i32
    %cond3A = arith.constant 0 : i32
    %cond3A_44 = arith.cmpi ne, %convert_element_type3A_43, %cond3A : i32
    scf.if %cond3A_44 {
      %broadcast_in_dim3A_52 = arith.constant 0.000000e+00 : f32
      %broadcast_in_dim3A_53 = vector.broadcast %broadcast_in_dim3A_52 : f32 to vector<64x1xf32>
      %swap3A_54 = arith.constant 0 : index
      %swap3A_55 = arith.constant 0 : index
      %swap3A_56 = vector.load %arg6[%swap3A_54, %swap3A_55] : memref<64x1xf32, #tpu.memory_space<vmem>>, vector<64x1xf32>
      tpu.vector_store %arg6[%swap3A_54, %swap3A_55], %broadcast_in_dim3A_53 {strides = array<i32>} : memref<64x1xf32, #tpu.memory_space<vmem>>, vector<64x1xf32>,
    } else {
    }
    %get3A_45 = arith.constant 0 : index
    %get3A_46 = arith.constant 0 : index
    %get3A_47 = vector.load %arg6[%get3A_45, %get3A_46] : memref<64x1xf32, #tpu.memory_space<vmem>>, vector<64x1xf32>
    %add3A_48 = arith.addf %get3A_47, %dot_general3A_40 : vector<64x1xf32>
    %swap3A_49 = arith.constant 0 : index
    %swap3A_50 = arith.constant 0 : index
    %swap3A_51 = vector.load %arg6[%swap3A_49, %swap3A_50] : memref<64x1xf32, #tpu.memory_space<vmem>>, vector<64x1xf32>
    tpu.vector_store %arg6[%swap3A_49, %swap3A_50], %add3A_48 {strides = array<i32>} : memref<64x1xf32, #tpu.memory_space<vmem>>, vector<64x1xf32>,
    return
  }
  func.func @transform_0(%arg0: i32) -> (i32, i32, i32) {
    %jit3A = arith.constant 2 : i32
    %div3A = arith.divsi %arg0, %jit3A : i32
    %sign3A = arith.constant 0 : i32
    %sign3A_0 = arith.cmpi sgt, %arg0, %sign3A : i32
    %sign3A_1 = arith.extui %sign3A_0 : i1 to i32
    %sign3A_2 = arith.constant 0 : i32
    %sign3A_3 = arith.cmpi slt, %arg0, %sign3A_2 : i32
    %sign3A_4 = arith.extui %sign3A_3 : i1 to i32
    %sign3A_5 = arith.subi %sign3A_1, %sign3A_4 : i32
    %sign3A_6 = arith.constant 0 : i32
    %sign3A_7 = arith.cmpi sgt, %jit3A, %sign3A_6 : i32
    %sign3A_8 = arith.extui %sign3A_7 : i1 to i32
    %sign3A_9 = arith.constant 0 : i32
    %sign3A_10 = arith.cmpi slt, %jit3A, %sign3A_9 : i32
    %sign3A_11 = arith.extui %sign3A_10 : i1 to i32
    %sign3A_12 = arith.subi %sign3A_8, %sign3A_11 : i32
    %ne3A = arith.cmpi ne, %sign3A_5, %sign3A_12 : i32
    %rem3A = arith.remsi %arg0, %jit3A : i32
    %ne3A_13 = arith.constant 0 : i32
    %ne3A_14 = arith.cmpi ne, %rem3A, %ne3A_13 : i32
    %and3A = arith.andi %ne3A, %ne3A_14 : i1
    %sub3A = arith.constant 1 : i32
    %sub3A_15 = arith.subi %div3A, %sub3A : i32
    %select_n3A = arith.select %and3A, %sub3A_15, %div3A : i32
    %jit3A_16 = arith.constant 2 : i32
    %eq3A = arith.constant 0 : i32
    %eq3A_17 = arith.cmpi eq, %jit3A_16, %eq3A : i32
    %jit3A_18 = arith.constant 1 : i32
    %select_n3A_19 = arith.select %eq3A_17, %jit3A_18, %jit3A_16 : i32
    %rem3A_20 = arith.remsi %arg0, %select_n3A_19 : i32
    %ne3A_21 = arith.constant 0 : i32
    %ne3A_22 = arith.cmpi ne, %rem3A_20, %ne3A_21 : i32
    %lt3A = arith.constant 0 : i32
    %lt3A_23 = arith.cmpi slt, %rem3A_20, %lt3A : i32
    %lt3A_24 = arith.constant 0 : i32
    %lt3A_25 = arith.cmpi slt, %select_n3A_19, %lt3A_24 : i32
    %ne3A_26 = arith.xori %lt3A_23, %lt3A_25 : i1
    %and3A_27 = arith.andi %ne3A_26, %ne3A_22 : i1
    %add3A = arith.addi %rem3A_20, %select_n3A_19 : i32
    %select_n3A_28 = arith.select %and3A_27, %add3A, %rem3A_20 : i32
    %c0_i32 = arith.constant 0 : i32
    %c0_i32_29 = arith.constant 0 : i32
    return %select_n3A, %select_n3A_28, %c0_i32 : i32, i32, i32
  }
  func.func @transform_1(%arg0: i32) -> (i32, i32) {
    %c0_i32 = arith.constant 0 : i32
    %c0_i32_0 = arith.constant 0 : i32
    %c0_i32_1 = arith.constant 0 : i32
    return %c0_i32, %c0_i32_0 : i32, i32
  }
  func.func @transform_2(%arg0: i32) -> (i32, i32) {
    %c0_i32 = arith.constant 0 : i32
    %c0_i32_0 = arith.constant 0 : i32
    %c0_i32_1 = arith.constant 0 : i32
    return %c0_i32, %c0_i32_0 : i32, i32
  }
  func.func @transform_3(%arg0: i32) -> (i32, i32, i32) {
    %c0_i32 = arith.constant 0 : i32
    %c0_i32_0 = arith.constant 0 : i32
    %c0_i32_1 = arith.constant 0 : i32
    return %arg0, %c0_i32, %c0_i32_0 : i32, i32, i32
  }
  func.func @transform_4(%arg0: i32) -> (i32, i32, i32) {
    %c0_i32 = arith.constant 0 : i32
    %c0_i32_0 = arith.constant 0 : i32
    %c0_i32_1 = arith.constant 0 : i32
    return %arg0, %c0_i32, %c0_i32_0 : i32, i32, i32
  }
  func.func @transform_5(%arg0: i32) -> (i32, i32) {
    %c0_i32 = arith.constant 0 : i32
    %c0_i32_0 = arith.constant 0 : i32
    %c0_i32_1 = arith.constant 0 : i32
    return %c0_i32, %c0_i32_0 : i32, i32
  }
}

</mosaic_0001>

<sc_bundles>
// kernel: kernel.4.cloned.1.call-start
scs
__scs_entry_jumppad:
0x0: {  	(pc) =	sbr.rel $0x88, $3  }
0x1: {  	(tag) =	ssettag $0x0;
	lr =	simm.s32 $0x1  }
0x2: {  	[smem:$0x3F9E] =	sst lr;
	_ =	strace $0xD0000000  }
0x3: {  	_ = 	snop  }
0x4: {  	_ = 	snop  }
0x5: {  	_ = 	snop  }
0x6: {  	_ = 	snop  }
0x7: {  	_ = 	snop  }
__scs_overlays_trampoline_lowered:
0x8: {  	[smem:$0x3FAD] =	sst s0  }
0x9: {  	[smem:$0x3FAE] =	sst s1  }
0xa: {  	[smem:$0x3FAF] =	sst s2  }
0xb: {  	[smem:$0x3FB0] =	sst s3  }
0xc: {  	[smem:$0x3FB1] =	sst s4  }
0xd: {  	[smem:$0x3FB2] =	sst s5  }
0xe: {  	[smem:$0x3FB3] =	sst s6  }
0xf: {  	[smem:$0x3FB4] =	sst s7  }
0x10: {  	[smem:$0x3FB5] =	sst s8  }
0x11: {  	[smem:$0x3FB6] =	sst s9;
	s0 =	simm.s32 @!p0 $0x0  }
0x12: {  	s1 =	sld [smem:$0x3F9C];
	s0 =	simm.s32 @p0 $0x1  }
0x13: {  	[smem:$0x3FB7] =	sst s0;
	s0 =	simm.s32 @!p1 $0x0  }
0x14: {  	s2 =	sld [smem:$0x3F9B];
	s0 =	simm.s32 @p1 $0x1  }
0x15: {  	[smem:$0x3FB8] =	sst s0;
	s0 =	simm.s32 @!p2 $0x0  }
0x16: {  	s3 =	sld [smem:$0x3FDB];
	s0 =	simm.s32 @p2 $0x1  }
0x17: {  	s4 =	simm.s32 $0x1BF5;
	[smem:$0x3FBA] =	sst s0  }
0x18: {  	s0 =	sld [smem:$0x3F9D];
	_ =	swait.ge [sflag:s4], $0x0  }
0x19: {  	s7 =	sld [smem:$0x3F9E]  }
0x1a: {  	s8 =	sadd.s32 $0xFFFFE003, lr  }
0x1b: {  	s9 =	sadd.s32 $0xFFFFFEF7, lr;
	s5 =	simm.s32 $0xFFFFFFFF;
	p2 =	slt.u32 s8, $0xFFFFF086  }
0x1c: {  	p1 =	slt.u32 s9, $0xF7A;
	s5 =	simm.s32 @!p2 $0x0  }
0x1d: {  	s5 =	simm.s32 @p1 $0x1;
	p0 =	seq.s32 s7, s2  }
0x1e: {  	s7 =	smul.u32 @!p0 $0xF7A, s2;
	p2 =	seq.s32 @!p0 s5, $0x0  }
0x1f: {  	s9 =	smul.u32 $0xF7A, s1;
	s8 =	simm.s32 @!p0 $0x1BF5;
	p2 =	por !p2, p0  }
0x20: {  	[sflag:s8] =	ssyncset.s32 @!p0 $0xFFFFF086;
	s6 =	sadd.s32 @!p0 s3, s7;
	s7 =	simm.s32 @!p0 $0x108  }
0x21: {  	s3 =	sadd.s32 s3, s9;
	s6 =	sadd.s32 @!p0 $0x88, s6;
	s7 =	simm.s32 @p2 $0x1082  }
0x22: {  	[simem:s7], [sflag:s8] =	dma.local @!p0 [hbm:s6], $0xF7A  }
0x23: {  	s9 =	sor.u32 $0xD0000000, s2;
	s6 =	simm.s32 $0x108;
	_ =	swait.ge @!p0 [sflag:s8], $0x0  }
0x24: {  	s3 =	sadd.s32 $0x88, s3;
	s6 =	simm.s32 @!p1 $0x1082;
	[sflag:s4] =	ssyncset.s32 $0xFFFFF086  }
0x25: {  	[simem:s6], [sflag:s4] =	dma.local [hbm:s3], $0xF7A  }
0x26: {  	[smem:$0x3F9E] =	sst s1;
	(tag) =	ssettag s2;
	_ =	strace s9  }
0x27: {  	s1 =	sld [smem:$0x3FAE]  }
0x28: {  	s2 =	sld [smem:$0x3FAF]  }
0x29: {  	s4 =	sld [smem:$0x3FB1]  }
0x2a: {  	p0 =	seq.s32 s5, $0x0;
	s5 =	sld [smem:$0x3FB2]  }
0x2b: {  	s6 =	sld [smem:$0x3FB3]  }
0x2c: {  	s7 =	sld [smem:$0x3FB4]  }
0x2d: {  	s3 =	simm.s32 $0x108;
	s8 =	sld [smem:$0x3FB5]  }
0x2e: {  	s3 =	simm.s32 @!p0 $0x1082;
	s9 =	sld [smem:$0x3FB6]  }
0x2f: {  	lr =	sadd.s32 s0, s3;
	s0 =	sld [smem:$0x3FAD]  }
0x30: {  	s3 =	sld [smem:$0x3FB0]  }
0x31: {  	[smem:$0x3FB9] =	sst s10  }
0x32: {  	s10 =	sld [smem:$0x3FB7];
	_ =	sdelay $0x3  }
0x33: {  	p0 =	seq.s32 s10, $0x1;
	s10 =	sld [smem:$0x3FB9];
	_ =	sdelay $0x3  }
0x34: {  	[smem:$0x3FB9] =	sst s10  }
0x35: {  	s10 =	sld [smem:$0x3FB8];
	_ =	sdelay $0x3  }
0x36: {  	p1 =	seq.s32 s10, $0x1;
	s10 =	sld [smem:$0x3FB9];
	_ =	sdelay $0x3  }
0x37: {  	[smem:$0x3FB9] =	sst s10  }
0x38: {  	s10 =	sld [smem:$0x3FBA]  }
0x39: {  	_ = 	snop;
	(pc) =	sbr.ind lr, $3  }
0x3a: {  	_ = 	snop  }
0x3b: {  	_ = 	snop  }
0x3c: {  	p2 =	seq.s32 s10, $0x1;
	s10 =	sld [smem:$0x3FB9]  }
0x3d: {  	_ =	shalt  }
0x3e: {  	_ =	shalt  }
0x3f: {  	_ =	shalt  }
0x40: {  	_ =	shalt  }
0x41: {  	_ =	shalt  }
0x42: {  	_ =	shalt  }
0x43: {  	_ =	shalt  }
0x44: {  	_ =	shalt  }
0x45: {  	_ =	shalt  }
0x46: {  	_ =	shalt  }
0x47: {  	_ =	shalt  }
0x48: {  	_ =	shalt  }
0x49: {  	_ =	shalt  }
0x4a: {  	_ =	shalt  }
0x4b: {  	_ =	shalt  }
0x4c: {  	_ =	shalt  }
0x4d: {  	_ =	shalt  }
0x4e: {  	_ =	shalt  }
0x4f: {  	_ =	shalt  }
0x50: {  	_ =	shalt  }
0x51: {  	_ =	shalt  }
0x52: {  	_ =	shalt  }
0x53: {  	_ =	shalt  }
0x54: {  	_ =	shalt  }
0x55: {  	_ =	shalt  }
0x56: {  	_ =	shalt  }
0x57: {  	_ =	shalt  }
0x58: {  	_ =	shalt  }
0x59: {  	_ =	shalt  }
0x5a: {  	_ =	shalt  }
0x5b: {  	_ =	shalt  }
0x5c: {  	_ =	shalt  }
0x5d: {  	_ =	shalt  }
0x5e: {  	_ =	shalt  }
0x5f: {  	_ =	shalt  }
0x60: {  	_ =	shalt  }
0x61: {  	_ =	shalt  }
0x62: {  	_ =	shalt  }
0x63: {  	_ =	shalt  }
0x64: {  	_ =	shalt  }
0x65: {  	_ =	shalt  }
0x66: {  	_ =	shalt  }
0x67: {  	_ =	shalt  }
0x68: {  	_ =	shalt  }
0x69: {  	_ =	shalt  }
0x6a: {  	_ =	shalt  }
0x6b: {  	_ =	shalt  }
0x6c: {  	_ =	shalt  }
0x6d: {  	_ =	shalt  }
0x6e: {  	_ =	shalt  }
0x6f: {  	_ =	shalt  }
0x70: {  	_ =	shalt  }
0x71: {  	_ =	shalt  }
0x72: {  	_ =	shalt  }
0x73: {  	_ =	shalt  }
0x74: {  	_ =	shalt  }
0x75: {  	_ =	shalt  }
0x76: {  	_ =	shalt  }
0x77: {  	_ =	shalt  }
0x78: {  	_ =	shalt  }
0x79: {  	_ =	shalt  }
0x7a: {  	_ =	shalt  }
0x7b: {  	_ =	shalt  }
0x7c: {  	_ =	shalt  }
0x7d: {  	_ =	shalt  }
0x7e: {  	_ =	shalt  }
0x7f: {  	_ =	shalt  }
0x80: {  	_ =	shalt  }
0x81: {  	_ =	shalt  }
0x82: {  	_ =	shalt  }
0x83: {  	_ =	shalt  }
0x84: {  	_ =	shalt  }
0x85: {  	_ =	shalt  }
0x86: {  	_ =	shalt  }
0x87: {  	_ =	shalt  }
.Lfunc_end0:
.L_simem_size_0:
called_computation_lowered:
.L_overlay_start_0:
0x88: {  	s2 =	sld [smem:$0x3FD9]  }
0x89: {  	s3 =	sld [smem:$0x3FFE];
	_ =	sdelay $0x1  }
0x8a: {  	s1 =	srdreg.scid  }
0x8b: {  	s0 =	sand.u32 $0x1, s1  }
0x8c: {  	s17 =	sshll.u32 s0, $0xA;
	s2 =	sadd.s32 s3, s2  }
0x8d: {  	s2 =	sadd.s32 s2, s17  }
0x8e: {  	[smem:$0x3FC5] =	sst s2  }
0x8f: {  	_ = 	snop  }
0x90: {  	s2 =	sld [smem:$0x3FD0];
	(tm) =	ssettm $0x1  }
0x91: {  	s18 =	sld [smem:$0x3FFB];
	_ =	sdelay $0x3  }
0x92: {  	_ =	strace s18  }
0x93: {  	s3 =	sld [smem:$0x3FFC];
	_ =	sdelay $0x3  }
0x94: {  	_ =	strace s3  }
0x95: {  	s3 =	sld [smem:$0x3FFD];
	_ =	sdelay $0x3  }
0x96: {  	_ =	strace s3  }
0x97: {  	_ =	strace $0x8FFFFFFF  }
0x98: {  	s19 =	sld [smem:$0x3FDB];
	_ =	sdelay $0x1  }
0x99: {  	s4 =	simm.s32 $_scs_section_size  }
0x9a: {  	s5 =	simm.s32 $_size__tile_overlayer_lowered;
	s6 =	simm.s32 $_tile_overlayer_lowered  }
0x9b: {  	s22 =	simm.s32 $0x1BFF;
	s21 =	sshll.u32 s6, $0x1;
	s3 =	sadd.s32 s4, s19  }
0x9c: {  	s7 =	simm.s32 $0x0;
	s20 =	sshll.u32 s5, $0x1;
	s5 =	sadd.s32 s21, s3  }
0x9d: {  	[timem:s7], [sflag:s22] =	dma.local [hbm:s5], s20  }
0x9e: {  	_ =	swait.ge [sflag:s22], s20  }
0x9f: {  	s4 =	ssub.s32 $0x0, s20;
	[sflag:s22] =	ssyncset.done $0x0  }
0xa0: {  	[sflag:s22] =	ssyncadd.s32 s4;
	_ =	sdelay $0x1  }
0xa1: {  	s23 =	simm.s32 $0x1B8B  }
0xa2: {  	_ =	swait.ge [sflag:s23], $0x1  }
0xa3: {  	[sflag:s23] =	ssyncset.done $0x0  }
0xa4: {  	s25 =	simm.s32 $0x1B8E;
	s24 =	sld [smem:$0x3FFE];
	[sflag:s23] =	ssyncadd.s32 $0xFFFFFFFF  }
0xa5: {  	s26 =	simm.s32 $execute0_lowered;
	[smem:$0x3FD2] =	sst s25  }
0xa6: {  	s5 =	sshll.u32 s26, $0x1;
	_ =	strace $0x80000046;
	[dreg:$0x1] =	wrdreg $0xFFFFFFFF  }
0xa7: {  	s28 =	simm.s32 $_size_execute0_lowered;
	s3 =	sadd.s32 s3, s5;
	[dreg:$0x0] =	wrdreg $0x0  }
0xa8: {  	s5 =	sshll.u32 s28, $0x1;
	[dreg:$0x2] =	wrdreg s3  }
0xa9: {  	[dreg:$0x3] =	wrdreg s5  }
0xaa: {  	[dreg:$0x4] =	wrdreg $0xC0  }
0xab: {  	_ =	task [dreg:s7], $0x5FFFF  }
0xac: {  	[dreg:$0x1] =	wrdreg $0xFFFFFFFF  }
0xad: {  	[dreg:$0x0] =	wrdreg $0x60  }
0xae: {  	[dreg:$0x2] =	wrdreg s24  }
0xaf: {  	[dreg:$0x3] =	wrdreg s2  }
0xb0: {  	[dreg:$0x4] =	wrdreg $0x9  }
0xb1: {  	_ =	task.clear_ibuf [dreg:s7], $0x5FFFF;
	_ =	strace $0x90000046  }
0xb2: {  	s29 =	simm.s32 $0x9;
	_ =	strace $0x80000048  }
0xb3: {  	_ =	swait.ge [sflag:s29], $0x1  }
0xb4: {  	[sflag:s29] =	ssyncadd.s32 $0xFFFFFFFF  }
0xb5: {  	_ =	strace $0x90000048  }
0xb6: {  	_ =	sfence  }
0xb7: {  	s30 =	sld [smem:$0x0];
	_ =	sdelay $0x2  }
0xb8: {  	s31 =	sshll.u32 s1, $0xD;
	s1 =	sshrl.u32 s1, $0x2  }
0xb9: {  	s3 =	sand.u32 $0x4000, s31;
	s1 =	sadd.s32 s1, s30  }
0xba: {  	s0 =	sor.u32 s3, s0;
	s1 =	sshll.u32 s1, $0x11  }
0xbb: {  	s0 =	sor.u32 s1, s0  }
0xbc: {  	s0 =	sadd.s32 $0x8F2B, s0  }
0xbd: {  	[sflag:s0] =	ssyncadd.remote.s32 $0x1  }
0xbe: {  	_ =	sfence.sel $0xFFFF  }
0xbf: {  	[dreg:$0x0] =	wrdreg $0xFFFFFFFF;
	(pc) =	sbr.abs _section_cstart, $3  }
0xc0: {  	[dreg:$0x1] =	wrdreg $0xFFFFFFFF  }
0xc1: {  	_ =	task.clear_ibuf [dreg:s7], $0x2FFFF;
	_ =	strace $0x9FFFFFFF  }
0xc2: {  	(tm) =	ssettm $0x7FFFFFFF  }
0xc3: {  	_ =	shalt  }
tec
execute0_lowered:
.L_overlay_start_1:
0x0: {  	(tag) =	ssettag $0x1  }
0x1: {  	v0 =	vlaneseq.u32  }
0x2: {  	v1 =	vimm.f32 $0.0e+00;
	v2 =	vor.u32 $0x10, v0;
	v6 =	vor.u32 $0x50, v0  }
0x3: {  	v7 =	vor.u32 $0x60, v0;
	v8 =	vor.u32 $0x70, v0;
	v9 =	vor.u32 $0x400, v0  }
0x4: {  	v10 =	vor.u32 $0x410, v0;
	v11 =	vor.u32 $0x420, v0;
	v12 =	vor.u32 $0x430, v0  }
0x5: {  	v13 =	vor.u32 $0x440, v0;
	v14 =	vor.u32 $0x450, v0;
	v15 =	vor.u32 $0x460, v0  }
0x6: {  	v16 =	vor.u32 $0x470, v0;
	v17 =	vor.u32 $0x800, v0;
	v18 =	vor.u32 $0x810, v0  }
0x7: {  	v19 =	vor.u32 $0x820, v0;
	v20 =	vor.u32 $0x830, v0;
	v21 =	vor.u32 $0x840, v0  }
0x8: {  	v22 =	vor.u32 $0x850, v0;
	v23 =	vor.u32 $0x860, v0;
	v24 =	vor.u32 $0x870, v0  }
0x9: {  	v25 =	vor.u32 $0xC00, v0;
	v26 =	vor.u32 $0xC10, v0;
	v27 =	vor.u32 $0xC20, v0  }
0xa: {  	v28 =	vor.u32 $0xC30, v0;
	v29 =	vor.u32 $0xC40, v0;
	v30 =	vor.u32 $0xC50, v0  }
0xb: {  	s3 =	rddreg [dreg:$0x0];
	s1 =	srdreg.scid;
	v31 =	vor.u32 $0xC60, v0;
	v32 =	vor.u32 $0xC70, v0;
	v33 =	vor.u32 $0x1000, v0  }
0xc: {  	s0 =	stileid.u32;
	s5 =	rddreg [dreg:$0x1];
	s2 =	simm.s32 $0x0;
	v34 =	vor.u32 $0x1010, v0;
	v35 =	vor.u32 $0x1020, v0;
	v36 =	vor.u32 $0x1030, v0  }
0xd: {  	s10 =	simm.s32 $0x800;
	s11 =	simm.s32 $0x880;
	s12 =	simm.s32 $0x900;
	v37 =	vor.u32 $0x1040, v0;
	v38 =	vor.u32 $0x1050, v0;
	v39 =	vor.u32 $0x1060, v0  }
0xe: {  	s13 =	simm.s32 $0x2000;
	s14 =	simm.s32 $0x10000;
	s15 =	simm.s32 $0x1;
	v40 =	vor.u32 $0x1070, v0;
	v41 =	vor.u32 $0x1400, v0;
	v42 =	vor.u32 $0x1410, v0  }
0xf: {  	s16 =	simm.s32 $0x0;
	s4 =	sand.u32 $0x1, s1;
	s1 =	rddreg [dreg:$0x2];
	v43 =	vor.u32 $0x1420, v0;
	v44 =	vor.u32 $0x1430, v0;
	v45 =	vor.u32 $0x1440, v0  }
0x10: {  	s6 =	sshll.u32 s0, $0x1;
	[smem:$0x7FF] =	sst s2;
	s9 =	sshll.u32 s0, $0xE;
	v46 =	vor.u32 $0x1450, v0;
	v47 =	vor.u32 $0x1460, v0;
	v48 =	vor.u32 $0x1470, v0  }
0x11: {  	v49 =	vor.u32 $0x1800, v0;
	v50 =	vor.u32 $0x1810, v0;
	v51 =	vor.u32 $0x1820, v0;
	s6 =	sor.u32 s4, s6;
	s4 =	ssub.s32 $0x2, s4;
	s9 =	sand.u32 $0x30000, s9  }
0x12: {  	v52 =	vor.u32 $0x1830, v0;
	v53 =	vor.u32 $0x1840, v0;
	[tilespmem:$0x1FFC0] =	vst v2;
	v2 =	vor.u32 $0x20, v0;
	s7 =	sshll.u32 s6, $0x7;
	s8 =	sshrl.u32 s4, $0x1;
	s6 =	sshll.u32 s6, $0xA  }
0x13: {  	v54 =	vor.u32 $0x1850, v0;
	v55 =	vor.u32 $0x1860, v0;
	[tilespmem:$0x1FFD0] =	vst v2;
	v2 =	vor.u32 $0x30, v0;
	s9 =	sadd.s32 s5, s9;
	s7 =	sadd.s32 s7, s3;
	s3 =	sadd.s32 $0x2800, s3  }
0x14: {  	v56 =	vor.u32 $0x1870, v0;
	v57 =	vor.u32 $0x1C00, v0;
	[tilespmem:$0x1FFE0] =	vst v2;
	v2 =	vor.u32 $0x40, v0;
	s8 =	ssub.s32 s4, s8;
	s6 =	sand.u32 $0x1C00, s6;
	s4 =	sadd.s32 $0x800, s7  }
0x15: {  	v58 =	vor.u32 $0x1C10, v0;
	v59 =	vor.u32 $0x1C20, v0;
	v60 =	vor.u32 $0x1C30, v0;
	[tilespmem:$0x1FFF0] =	vst v2;
	s5 =	sadd.s32 $0x1800, s7;
	s6 =	sadd.s32 s6, s9;
	s7 =	smax.u32 s8, $0x1  }
0x16: {  	v61 =	vor.u32 $0x1C40, v0;
	v62 =	vor.u32 $0x1C50, v0;
	v63 =	vor.u32 $0x1C60, v0;
	s8 =	simm.s32 $0x2;
	s9 =	simm.s32 $0x400;
	_ =	strace $0x80000047  }
.LBB2_1:
0x17: {  	[tilespmem:s2], [sflag:$0x2] =	stream.linear.gather [hbm4b:s4+s2], $0x400, $0x38;
	[tilespmem:$0x10900] =	vst v63  }
0x18: {  	_ =	swait.ge [sflag:s8], $0x400  }
0x19: {  	[sflag:s8] =	ssyncset.done $0x0  }
0x1a: {  	[sflag:s8] =	ssyncadd.s32 $0xFFFFFC00  }
0x1b: {  	[tilespmem:s9], [sflag:$0x2] =	stream.linear.gather [hbm4b:s5+s2], $0x400, $0x38;
	[tilespmem:$0x10900] =	vst v63  }
0x1c: {  	_ =	swait.ge [sflag:s8], $0x400  }
0x1d: {  	[sflag:s8] =	ssyncset.done $0x0  }
0x1e: {  	[sflag:s8] =	ssyncadd.s32 $0xFFFFFC00  }
0x1f: {  	[tilespmem:s10], [sflag:$0x2] =	stream.linear.gather [hbm4b:s3+s2], $0x80, $0x38;
	[tilespmem:$0x10900] =	vst v63  }
0x20: {  	_ =	swait.ge [sflag:s8], $0x80  }
0x21: {  	[sflag:s8] =	ssyncset.done $0x0  }
0x22: {  	[sflag:s8] =	ssyncadd.s32 $0xFFFFFF80  }
0x23: {  	v2 =	vld [tilespmem:$0x800]  }
0x24: {  	v3 =	vld [tilespmem:$0x810]  }
0x25: {  	v4 =	vld [tilespmem:$0x820]  }
0x26: {  	v5 =	vld [tilespmem:$0x830];
	_ =	sdelay $0x1  }
0x27: {  	v2 =	vadd.f32 $9.999999970e-07, v2  }
0x28: {  	v3 =	vadd.f32 $9.999999970e-07, v3  }
0x29: {  	(erf) = vrcp.f32 v2;
	v2 =	vadd.f32 $9.999999970e-07, v4  }
0x2a: {  	(erf) = vrcp.f32 v3;
	v3 =	vadd.f32 $9.999999970e-07, v5  }
0x2b: {  	(erf) = vrcp.f32 v2  }
0x2c: {  	(erf) = vrcp.f32 v3;
	_ =	sdelay $0x5  }
0x2d: {  	v2 =	vpop (erf)  }
0x2e: {  	v3 =	vpop (erf);
	v2 =	vmul.f32 $3.276800000e+04, v2  }
0x2f: {  	v4 =	vpop (erf);
	v3 =	vmul.f32 $3.276800000e+04, v3  }
0x30: {  	[tilespmem:$0x880] =	vst v2;
	v2 =	vmul.f32 $3.276800000e+04, v4;
	v4 =	vpop (erf)  }
0x31: {  	[tilespmem:$0x890] =	vst v3;
	v3 =	vmul.f32 $3.276800000e+04, v4  }
0x32: {  	s17 =	simm.s32 $0xFFFF0000;
	[tilespmem:$0x8A0] =	vst v2  }
0x33: {  	s18 =	simm.s32 $0x0;
	s19 =	simm.s32 $0x0;
	s20 =	simm.s32 $0x0;
	[tilespmem:$0x8B0] =	vst v3  }
.LBB2_2:
0x34: {  	s21 =	sadd.s32 $0x10000, s17  }
0x35: {  	s22 =	sand.u32 $0x380, s20;
	s21 =	sand.u32 $0xE000, s21  }
0x36: {  	s21 =	sor.u32 s22, s21  }
0x37: {  	[tilespmem:s21+$0x900] =	vst v1  }
0x38: {  	[tilespmem:s21+$0x910] =	vst v1  }
0x39: {  	[tilespmem:s21+$0x920] =	vst v1  }
0x3a: {  	[tilespmem:s21+$0x930] =	vst v1  }
0x3b: {  	[tilespmem:s21+$0x940] =	vst v1  }
0x3c: {  	[tilespmem:s21+$0x950] =	vst v1  }
0x3d: {  	[tilespmem:s21+$0x960] =	vst v1  }
0x3e: {  	[tilespmem:s21+$0x970] =	vst v1  }
0x3f: {  	[tilespmem:s21+$0xD00] =	vst v1  }
0x40: {  	[tilespmem:s21+$0xD10] =	vst v1  }
0x41: {  	[tilespmem:s21+$0xD20] =	vst v1  }
0x42: {  	[tilespmem:s21+$0xD30] =	vst v1  }
0x43: {  	[tilespmem:s21+$0xD40] =	vst v1  }
0x44: {  	[tilespmem:s21+$0xD50] =	vst v1  }
0x45: {  	[tilespmem:s21+$0xD60] =	vst v1  }
0x46: {  	[tilespmem:s21+$0xD70] =	vst v1  }
0x47: {  	[tilespmem:s21+$0x1100] =	vst v1  }
0x48: {  	[tilespmem:s21+$0x1110] =	vst v1  }
0x49: {  	[tilespmem:s21+$0x1120] =	vst v1  }
0x4a: {  	[tilespmem:s21+$0x1130] =	vst v1  }
0x4b: {  	[tilespmem:s21+$0x1140] =	vst v1  }
0x4c: {  	[tilespmem:s21+$0x1150] =	vst v1  }
0x4d: {  	[tilespmem:s21+$0x1160] =	vst v1  }
0x4e: {  	[tilespmem:s21+$0x1170] =	vst v1  }
0x4f: {  	[tilespmem:s21+$0x1500] =	vst v1  }
0x50: {  	[tilespmem:s21+$0x1510] =	vst v1  }
0x51: {  	[tilespmem:s21+$0x1520] =	vst v1  }
0x52: {  	[tilespmem:s21+$0x1530] =	vst v1  }
0x53: {  	[tilespmem:s21+$0x1540] =	vst v1  }
0x54: {  	[tilespmem:s21+$0x1550] =	vst v1  }
0x55: {  	[tilespmem:s21+$0x1560] =	vst v1  }
0x56: {  	[tilespmem:s21+$0x1570] =	vst v1  }
0x57: {  	[tilespmem:s21+$0x1900] =	vst v1  }
0x58: {  	[tilespmem:s21+$0x1910] =	vst v1  }
0x59: {  	[tilespmem:s21+$0x1920] =	vst v1  }
0x5a: {  	[tilespmem:s21+$0x1930] =	vst v1  }
0x5b: {  	[tilespmem:s21+$0x1940] =	vst v1  }
0x5c: {  	[tilespmem:s21+$0x1950] =	vst v1  }
0x5d: {  	[tilespmem:s21+$0x1960] =	vst v1  }
0x5e: {  	[tilespmem:s21+$0x1970] =	vst v1  }
0x5f: {  	[tilespmem:s21+$0x1D00] =	vst v1  }
0x60: {  	[tilespmem:s21+$0x1D10] =	vst v1  }
0x61: {  	[tilespmem:s21+$0x1D20] =	vst v1  }
0x62: {  	[tilespmem:s21+$0x1D30] =	vst v1  }
0x63: {  	[tilespmem:s21+$0x1D40] =	vst v1  }
0x64: {  	[tilespmem:s21+$0x1D50] =	vst v1  }
0x65: {  	[tilespmem:s21+$0x1D60] =	vst v1  }
0x66: {  	[tilespmem:s21+$0x1D70] =	vst v1  }
0x67: {  	[tilespmem:s21+$0x2100] =	vst v1  }
0x68: {  	[tilespmem:s21+$0x2110] =	vst v1  }
0x69: {  	[tilespmem:s21+$0x2120] =	vst v1  }
0x6a: {  	[tilespmem:s21+$0x2130] =	vst v1  }
0x6b: {  	s31 =	sand.u32 $0x7, s18;
	[tilespmem:s21+$0x2140] =	vst v1  }
0x6c: {  	s22 =	sshll.u32 s31, $0x7;
	[tilespmem:s21+$0x2150] =	vst v1  }
0x6d: {  	s22 =	sadd.s32 s22, s19;
	[tilespmem:s21+$0x2160] =	vst v1  }
0x6e: {  	[tilespmem:s21+$0x2170] =	vst v1;
	s23 =	sor.u32 $0x1C00, s22  }
0x6f: {  	s24 =	sor.u32 $0x1C10, s22;
	[tilespmem:s23+$0x900] =	vst v1  }
0x70: {  	s25 =	sor.u32 $0x1C20, s22;
	[tilespmem:s24+$0x900] =	vst v1  }
0x71: {  	p0 =	sne.s32 s20, $0x1F80;
	s26 =	sor.u32 $0x1C30, s22;
	[tilespmem:s25+$0x900] =	vst v1  }
.Ltmp0:
0x72: {  	s28 =	sor.u32 $0x1C40, s22;
	[tilespmem:s26+$0x900] =	vst v1;
	(pc) =	sbr.rel @p0 .LBB2_2-.Ltmp0, $4  }
0x73: {  	s29 =	sor.u32 $0x1C50, s22;
	[tilespmem:s28+$0x900] =	vst v1  }
0x74: {  	s30 =	sor.u32 $0x1C60, s22;
	[tilespmem:s29+$0x900] =	vst v1  }
0x75: {  	s18 =	sadd.s32 $0x1, s18;
	s31 =	sor.u32 $0x1C70, s22;
	[tilespmem:s30+$0x900] =	vst v1  }
0x76: {  	s17 =	sadd.s32 $0x400, s17;
	s20 =	sadd.s32 $0x80, s20;
	s19 =	sadd.s32 $0x400, s19;
	[tilespmem:s31+$0x900] =	vst v1  }
0x77: {  	v2 =	vld [tilespmem:$0x400];
	_ =	sdelay $0x6  }
0x78: {  	v3 =	vld [tilespmem:$0x0];
	v4 =	vshll.u32 v2, $0xA;
	v5 =	vshll.u32 v2, $0x7  }
0x79: {  	v4 =	vand.u32 $0xFFFFE000, v4;
	v5 =	vand.u32 $0x380, v5;
	v2 =	vld.idx.msk [tilespmem:v2+s11+$0x0], $0xffff  }
0x7a: {  	v4 =	vor.u32 v4, v5  }
0x7b: {  	v4 =	vor.u32 v0, v4;
	_ =	sdelay $0x2  }
0x7c: {  	v2 =	vmul.f32 v2, v3;
	_ =	sdelay $0x1  }
0x7d: {  	[tilespmem:v4+s12+$0x0] =	vst.idx.msk $0xffff, v2  }
0x7e: {  	v2 =	vld [tilespmem:$0x410];
	_ =	sdelay $0x4  }
0x7f: {  	v4 =	vshll.u32 v2, $0xA;
	v5 =	vshll.u32 v2, $0x7  }
0x80: {  	v4 =	vand.u32 $0xFFFFE000, v4;
	v5 =	vand.u32 $0x380, v5  }
0x81: {  	v4 =	vor.u32 v4, v5;
	v5 =	vld [tilespmem:$0x1FFC0];
	_ =	sdelay $0x1  }
0x82: {  	v3 =	vld [tilespmem:$0x10]  }
0x83: {  	v2 =	vld.idx.msk [tilespmem:v2+s11+$0x0], $0xffff;
	_ =	sdelay $0x1  }
0x84: {  	v4 =	vor.u32 v5, v4;
	_ =	sdelay $0x2  }
0x85: {  	v2 =	vmul.f32 v2, v3;
	_ =	sdelay $0x1  }
0x86: {  	[tilespmem:v4+s12+$0x0] =	vst.idx.msk $0xffff, v2  }
0x87: {  	v2 =	vld [tilespmem:$0x420];
	_ =	sdelay $0x4  }
0x88: {  	v4 =	vshll.u32 v2, $0xA;
	v5 =	vshll.u32 v2, $0x7  }
0x89: {  	v4 =	vand.u32 $0xFFFFE000, v4;
	v5 =	vand.u32 $0x380, v5  }
0x8a: {  	v4 =	vor.u32 v4, v5;
	v5 =	vld [tilespmem:$0x1FFD0];
	_ =	sdelay $0x1  }
0x8b: {  	v3 =	vld [tilespmem:$0x20]  }
0x8c: {  	v2 =	vld.idx.msk [tilespmem:v2+s11+$0x0], $0xffff;
	_ =	sdelay $0x1  }
0x8d: {  	v4 =	vor.u32 v5, v4;
	_ =	sdelay $0x2  }
0x8e: {  	v2 =	vmul.f32 v2, v3;
	_ =	sdelay $0x1  }
0x8f: {  	[tilespmem:v4+s12+$0x0] =	vst.idx.msk $0xffff, v2  }
0x90: {  	v2 =	vld [tilespmem:$0x430];
	_ =	sdelay $0x4  }
0x91: {  	v4 =	vshll.u32 v2, $0xA;
	v5 =	vshll.u32 v2, $0x7  }
0x92: {  	v4 =	vand.u32 $0xFFFFE000, v4;
	v5 =	vand.u32 $0x380, v5  }
0x93: {  	v4 =	vor.u32 v4, v5;
	v5 =	vld [tilespmem:$0x1FFE0];
	_ =	sdelay $0x1  }
0x94: {  	v3 =	vld [tilespmem:$0x30]  }
0x95: {  	v2 =	vld.idx.msk [tilespmem:v2+s11+$0x0], $0xffff;
	_ =	sdelay $0x1  }
0x96: {  	v4 =	vor.u32 v5, v4;
	_ =	sdelay $0x2  }
0x97: {  	v2 =	vmul.f32 v2, v3;
	_ =	sdelay $0x1  }
0x98: {  	[tilespmem:v4+s12+$0x0] =	vst.idx.msk $0xffff, v2  }
0x99: {  	v2 =	vld [tilespmem:$0x440];
	_ =	sdelay $0x4  }
0x9a: {  	v4 =	vshll.u32 v2, $0xA;
	v5 =	vshll.u32 v2, $0x7  }
0x9b: {  	v4 =	vand.u32 $0xFFFFE000, v4;
	v5 =	vand.u32 $0x380, v5  }
0x9c: {  	v4 =	vor.u32 v4, v5;
	v5 =	vld [tilespmem:$0x1FFF0];
	_ =	sdelay $0x1  }
0x9d: {  	v3 =	vld [tilespmem:$0x40]  }
0x9e: {  	v2 =	vld.idx.msk [tilespmem:v2+s11+$0x0], $0xffff;
	_ =	sdelay $0x1  }
0x9f: {  	v4 =	vor.u32 v5, v4;
	_ =	sdelay $0x2  }
0xa0: {  	v2 =	vmul.f32 v2, v3;
	_ =	sdelay $0x1  }
0xa1: {  	[tilespmem:v4+s12+$0x0] =	vst.idx.msk $0xffff, v2  }
0xa2: {  	v2 =	vld [tilespmem:$0x450];
	_ =	sdelay $0x6  }
0xa3: {  	v3 =	vld [tilespmem:$0x50];
	v4 =	vshll.u32 v2, $0xA;
	v5 =	vshll.u32 v2, $0x7  }
0xa4: {  	v4 =	vand.u32 $0xFFFFE000, v4;
	v5 =	vand.u32 $0x380, v5;
	v2 =	vld.idx.msk [tilespmem:v2+s11+$0x0], $0xffff  }
0xa5: {  	v4 =	vor.u32 v4, v5  }
0xa6: {  	v4 =	vor.u32 v6, v4;
	_ =	sdelay $0x2  }
0xa7: {  	v2 =	vmul.f32 v2, v3;
	_ =	sdelay $0x1  }
0xa8: {  	[tilespmem:v4+s12+$0x0] =	vst.idx.msk $0xffff, v2  }
0xa9: {  	v2 =	vld [tilespmem:$0x460];
	_ =	sdelay $0x6  }
0xaa: {  	v3 =	vld [tilespmem:$0x60];
	v4 =	vshll.u32 v2, $0xA;
	v5 =	vshll.u32 v2, $0x7  }
0xab: {  	v4 =	vand.u32 $0xFFFFE000, v4;
	v5 =	vand.u32 $0x380, v5;
	v2 =	vld.idx.msk [tilespmem:v2+s11+$0x0], $0xffff  }
0xac: {  	v4 =	vor.u32 v4, v5  }
0xad: {  	v4 =	vor.u32 v7, v4;
	_ =	sdelay $0x2  }
0xae: {  	v2 =	vmul.f32 v2, v3;
	_ =	sdelay $0x1  }
0xaf: {  	[tilespmem:v4+s12+$0x0] =	vst.idx.msk $0xffff, v2  }
0xb0: {  	v2 =	vld [tilespmem:$0x470];
	_ =	sdelay $0x6  }
0xb1: {  	v3 =	vld [tilespmem:$0x70];
	v4 =	vshll.u32 v2, $0xA;
	v5 =	vshll.u32 v2, $0x7  }
0xb2: {  	v4 =	vand.u32 $0xFFFFE000, v4;
	v5 =	vand.u32 $0x380, v5;
	v2 =	vld.idx.msk [tilespmem:v2+s11+$0x0], $0xffff  }
0xb3: {  	v4 =	vor.u32 v4, v5  }
0xb4: {  	v4 =	vor.u32 v8, v4;
	_ =	sdelay $0x2  }
0xb5: {  	v2 =	vmul.f32 v2, v3;
	_ =	sdelay $0x1  }
0xb6: {  	[tilespmem:v4+s12+$0x0] =	vst.idx.msk $0xffff, v2  }
0xb7: {  	v2 =	vld [tilespmem:$0x480];
	_ =	sdelay $0x6  }
0xb8: {  	v3 =	vld [tilespmem:$0x80];
	v4 =	vshll.u32 v2, $0xA;
	v5 =	vshll.u32 v2, $0x7  }
0xb9: {  	v4 =	vand.u32 $0xFFFFE000, v4;
	v5 =	vand.u32 $0x380, v5;
	v2 =	vld.idx.msk [tilespmem:v2+s11+$0x0], $0xffff  }
0xba: {  	v4 =	vor.u32 v5, v4  }
0xbb: {  	v4 =	vor.u32 v9, v4;
	_ =	sdelay $0x2  }
0xbc: {  	v2 =	vmul.f32 v2, v3;
	_ =	sdelay $0x1  }
0xbd: {  	[tilespmem:v4+s12+$0x0] =	vst.idx.msk $0xffff, v2  }
0xbe: {  	v2 =	vld [tilespmem:$0x490];
	_ =	sdelay $0x6  }
0xbf: {  	v3 =	vld [tilespmem:$0x90];
	v4 =	vshll.u32 v2, $0xA;
	v5 =	vshll.u32 v2, $0x7  }
0xc0: {  	v4 =	vand.u32 $0xFFFFE000, v4;
	v5 =	vand.u32 $0x380, v5;
	v2 =	vld.idx.msk [tilespmem:v2+s11+$0x0], $0xffff  }
0xc1: {  	v4 =	vor.u32 v5, v4  }
0xc2: {  	v4 =	vor.u32 v10, v4;
	_ =	sdelay $0x2  }
0xc3: {  	v2 =	vmul.f32 v2, v3;
	_ =	sdelay $0x1  }
0xc4: {  	[tilespmem:v4+s12+$0x0] =	vst.idx.msk $0xffff, v2  }
0xc5: {  	v2 =	vld [tilespmem:$0x4A0];
	_ =	sdelay $0x6  }
0xc6: {  	v3 =	vld [tilespmem:$0xA0];
	v4 =	vshll.u32 v2, $0xA;
	v5 =	vshll.u32 v2, $0x7  }
0xc7: {  	v4 =	vand.u32 $0xFFFFE000, v4;
	v5 =	vand.u32 $0x380, v5;
	v2 =	vld.idx.msk [tilespmem:v2+s11+$0x0], $0xffff  }
0xc8: {  	v4 =	vor.u32 v5, v4  }
0xc9: {  	v4 =	vor.u32 v11, v4;
	_ =	sdelay $0x2  }
0xca: {  	v2 =	vmul.f32 v2, v3;
	_ =	sdelay $0x1  }
0xcb: {  	[tilespmem:v4+s12+$0x0] =	vst.idx.msk $0xffff, v2  }
0xcc: {  	v2 =	vld [tilespmem:$0x4B0];
	_ =	sdelay $0x6  }
0xcd: {  	v3 =	vld [tilespmem:$0xB0];
	v4 =	vshll.u32 v2, $0xA;
	v5 =	vshll.u32 v2, $0x7  }
0xce: {  	v4 =	vand.u32 $0xFFFFE000, v4;
	v5 =	vand.u32 $0x380, v5;
	v2 =	vld.idx.msk [tilespmem:v2+s11+$0x0], $0xffff  }
0xcf: {  	v4 =	vor.u32 v5, v4  }
0xd0: {  	v4 =	vor.u32 v12, v4;
	_ =	sdelay $0x2  }
0xd1: {  	v2 =	vmul.f32 v2, v3;
	_ =	sdelay $0x1  }
0xd2: {  	[tilespmem:v4+s12+$0x0] =	vst.idx.msk $0xffff, v2  }
0xd3: {  	v2 =	vld [tilespmem:$0x4C0];
	_ =	sdelay $0x6  }
0xd4: {  	v3 =	vld [tilespmem:$0xC0];
	v4 =	vshll.u32 v2, $0xA;
	v5 =	vshll.u32 v2, $0x7  }
0xd5: {  	v4 =	vand.u32 $0xFFFFE000, v4;
	v5 =	vand.u32 $0x380, v5;
	v2 =	vld.idx.msk [tilespmem:v2+s11+$0x0], $0xffff  }
0xd6: {  	v4 =	vor.u32 v5, v4  }
0xd7: {  	v4 =	vor.u32 v13, v4;
	_ =	sdelay $0x2  }
0xd8: {  	v2 =	vmul.f32 v2, v3;
	_ =	sdelay $0x1  }
0xd9: {  	[tilespmem:v4+s12+$0x0] =	vst.idx.msk $0xffff, v2  }
0xda: {  	v2 =	vld [tilespmem:$0x4D0];
	_ =	sdelay $0x6  }
0xdb: {  	v3 =	vld [tilespmem:$0xD0];
	v4 =	vshll.u32 v2, $0xA;
	v5 =	vshll.u32 v2, $0x7  }
0xdc: {  	v4 =	vand.u32 $0xFFFFE000, v4;
	v5 =	vand.u32 $0x380, v5;
	v2 =	vld.idx.msk [tilespmem:v2+s11+$0x0], $0xffff  }
0xdd: {  	v4 =	vor.u32 v5, v4  }
0xde: {  	v4 =	vor.u32 v14, v4;
	_ =	sdelay $0x2  }
0xdf: {  	v2 =	vmul.f32 v2, v3;
	_ =	sdelay $0x1  }
0xe0: {  	[tilespmem:v4+s12+$0x0] =	vst.idx.msk $0xffff, v2  }
0xe1: {  	v2 =	vld [tilespmem:$0x4E0];
	_ =	sdelay $0x6  }
0xe2: {  	v3 =	vld [tilespmem:$0xE0];
	v4 =	vshll.u32 v2, $0xA;
	v5 =	vshll.u32 v2, $0x7  }
0xe3: {  	v4 =	vand.u32 $0xFFFFE000, v4;
	v5 =	vand.u32 $0x380, v5;
	v2 =	vld.idx.msk [tilespmem:v2+s11+$0x0], $0xffff  }
0xe4: {  	v4 =	vor.u32 v5, v4  }
0xe5: {  	v4 =	vor.u32 v15, v4;
	_ =	sdelay $0x2  }
0xe6: {  	v2 =	vmul.f32 v2, v3;
	_ =	sdelay $0x1  }
0xe7: {  	[tilespmem:v4+s12+$0x0] =	vst.idx.msk $0xffff, v2  }
0xe8: {  	v2 =	vld [tilespmem:$0x4F0];
	_ =	sdelay $0x6  }
0xe9: {  	v3 =	vld [tilespmem:$0xF0];
	v4 =	vshll.u32 v2, $0xA;
	v5 =	vshll.u32 v2, $0x7  }
0xea: {  	v4 =	vand.u32 $0xFFFFE000, v4;
	v5 =	vand.u32 $0x380, v5;
	v2 =	vld.idx.msk [tilespmem:v2+s11+$0x0], $0xffff  }
0xeb: {  	v4 =	vor.u32 v5, v4  }
0xec: {  	v4 =	vor.u32 v16, v4;
	_ =	sdelay $0x2  }
0xed: {  	v2 =	vmul.f32 v2, v3;
	_ =	sdelay $0x1  }
0xee: {  	[tilespmem:v4+s12+$0x0] =	vst.idx.msk $0xffff, v2  }
0xef: {  	v2 =	vld [tilespmem:$0x500];
	_ =	sdelay $0x6  }
0xf0: {  	v3 =	vld [tilespmem:$0x100];
	v4 =	vshll.u32 v2, $0xA;
	v5 =	vshll.u32 v2, $0x7  }
0xf1: {  	v4 =	vand.u32 $0xFFFFE000, v4;
	v5 =	vand.u32 $0x380, v5;
	v2 =	vld.idx.msk [tilespmem:v2+s11+$0x0], $0xffff  }
0xf2: {  	v4 =	vor.u32 v5, v4  }
0xf3: {  	v4 =	vor.u32 v17, v4;
	_ =	sdelay $0x2  }
0xf4: {  	v2 =	vmul.f32 v2, v3;
	_ =	sdelay $0x1  }
0xf5: {  	[tilespmem:v4+s12+$0x0] =	vst.idx.msk $0xffff, v2  }
0xf6: {  	v2 =	vld [tilespmem:$0x510];
	_ =	sdelay $0x6  }
0xf7: {  	v3 =	vld [tilespmem:$0x110];
	v4 =	vshll.u32 v2, $0xA;
	v5 =	vshll.u32 v2, $0x7  }
0xf8: {  	v4 =	vand.u32 $0xFFFFE000, v4;
	v5 =	vand.u32 $0x380, v5;
	v2 =	vld.idx.msk [tilespmem:v2+s11+$0x0], $0xffff  }
0xf9: {  	v4 =	vor.u32 v5, v4  }
0xfa: {  	v4 =	vor.u32 v18, v4;
	_ =	sdelay $0x2  }
0xfb: {  	v2 =	vmul.f32 v2, v3;
	_ =	sdelay $0x1  }
0xfc: {  	[tilespmem:v4+s12+$0x0] =	vst.idx.msk $0xffff, v2  }
0xfd: {  	v2 =	vld [tilespmem:$0x520];
	_ =	sdelay $0x6  }
0xfe: {  	v3 =	vld [tilespmem:$0x120];
	v4 =	vshll.u32 v2, $0xA;
	v5 =	vshll.u32 v2, $0x7  }
0xff: {  	v4 =	vand.u32 $0xFFFFE000, v4;
	v5 =	vand.u32 $0x380, v5;
	v2 =	vld.idx.msk [tilespmem:v2+s11+$0x0], $0xffff  }
0x100: {  	v4 =	vor.u32 v5, v4  }
0x101: {  	v4 =	vor.u32 v19, v4;
	_ =	sdelay $0x2  }
0x102: {  	v2 =	vmul.f32 v2, v3;
	_ =	sdelay $0x1  }
0x103: {  	[tilespmem:v4+s12+$0x0] =	vst.idx.msk $0xffff, v2  }
0x104: {  	v2 =	vld [tilespmem:$0x530];
	_ =	sdelay $0x6  }
0x105: {  	v3 =	vld [tilespmem:$0x130];
	v4 =	vshll.u32 v2, $0xA;
	v5 =	vshll.u32 v2, $0x7  }
0x106: {  	v4 =	vand.u32 $0xFFFFE000, v4;
	v5 =	vand.u32 $0x380, v5;
	v2 =	vld.idx.msk [tilespmem:v2+s11+$0x0], $0xffff  }
0x107: {  	v4 =	vor.u32 v5, v4  }
0x108: {  	v4 =	vor.u32 v20, v4;
	_ =	sdelay $0x2  }
0x109: {  	v2 =	vmul.f32 v2, v3;
	_ =	sdelay $0x1  }
0x10a: {  	[tilespmem:v4+s12+$0x0] =	vst.idx.msk $0xffff, v2  }
0x10b: {  	v2 =	vld [tilespmem:$0x540];
	_ =	sdelay $0x6  }
0x10c: {  	v3 =	vld [tilespmem:$0x140];
	v4 =	vshll.u32 v2, $0xA;
	v5 =	vshll.u32 v2, $0x7  }
0x10d: {  	v4 =	vand.u32 $0xFFFFE000, v4;
	v5 =	vand.u32 $0x380, v5;
	v2 =	vld.idx.msk [tilespmem:v2+s11+$0x0], $0xffff  }
0x10e: {  	v4 =	vor.u32 v5, v4  }
0x10f: {  	v4 =	vor.u32 v21, v4;
	_ =	sdelay $0x2  }
0x110: {  	v2 =	vmul.f32 v2, v3;
	_ =	sdelay $0x1  }
0x111: {  	[tilespmem:v4+s12+$0x0] =	vst.idx.msk $0xffff, v2  }
0x112: {  	v2 =	vld [tilespmem:$0x550];
	_ =	sdelay $0x6  }
0x113: {  	v3 =	vld [tilespmem:$0x150];
	v4 =	vshll.u32 v2, $0xA;
	v5 =	vshll.u32 v2, $0x7  }
0x114: {  	v4 =	vand.u32 $0xFFFFE000, v4;
	v5 =	vand.u32 $0x380, v5;
	v2 =	vld.idx.msk [tilespmem:v2+s11+$0x0], $0xffff  }
0x115: {  	v4 =	vor.u32 v5, v4  }
0x116: {  	v4 =	vor.u32 v22, v4;
	_ =	sdelay $0x2  }
0x117: {  	v2 =	vmul.f32 v2, v3;
	_ =	sdelay $0x1  }
0x118: {  	[tilespmem:v4+s12+$0x0] =	vst.idx.msk $0xffff, v2  }
0x119: {  	v2 =	vld [tilespmem:$0x560];
	_ =	sdelay $0x6  }
0x11a: {  	v3 =	vld [tilespmem:$0x160];
	v4 =	vshll.u32 v2, $0xA;
	v5 =	vshll.u32 v2, $0x7  }
0x11b: {  	v4 =	vand.u32 $0xFFFFE000, v4;
	v5 =	vand.u32 $0x380, v5;
	v2 =	vld.idx.msk [tilespmem:v2+s11+$0x0], $0xffff  }
0x11c: {  	v4 =	vor.u32 v5, v4  }
0x11d: {  	v4 =	vor.u32 v23, v4;
	_ =	sdelay $0x2  }
0x11e: {  	v2 =	vmul.f32 v2, v3;
	_ =	sdelay $0x1  }
0x11f: {  	[tilespmem:v4+s12+$0x0] =	vst.idx.msk $0xffff, v2  }
0x120: {  	v2 =	vld [tilespmem:$0x570];
	_ =	sdelay $0x6  }
0x121: {  	v3 =	vld [tilespmem:$0x170];
	v4 =	vshll.u32 v2, $0xA;
	v5 =	vshll.u32 v2, $0x7  }
0x122: {  	v4 =	vand.u32 $0xFFFFE000, v4;
	v5 =	vand.u32 $0x380, v5;
	v2 =	vld.idx.msk [tilespmem:v2+s11+$0x0], $0xffff  }
0x123: {  	v4 =	vor.u32 v5, v4  }
0x124: {  	v4 =	vor.u32 v24, v4;
	_ =	sdelay $0x2  }
0x125: {  	v2 =	vmul.f32 v2, v3;
	_ =	sdelay $0x1  }
0x126: {  	[tilespmem:v4+s12+$0x0] =	vst.idx.msk $0xffff, v2  }
0x127: {  	v2 =	vld [tilespmem:$0x580];
	_ =	sdelay $0x6  }
0x128: {  	v3 =	vld [tilespmem:$0x180];
	v4 =	vshll.u32 v2, $0xA;
	v5 =	vshll.u32 v2, $0x7  }
0x129: {  	v4 =	vand.u32 $0xFFFFE000, v4;
	v5 =	vand.u32 $0x380, v5;
	v2 =	vld.idx.msk [tilespmem:v2+s11+$0x0], $0xffff  }
0x12a: {  	v4 =	vor.u32 v5, v4  }
0x12b: {  	v4 =	vor.u32 v25, v4;
	_ =	sdelay $0x2  }
0x12c: {  	v2 =	vmul.f32 v2, v3;
	_ =	sdelay $0x1  }
0x12d: {  	[tilespmem:v4+s12+$0x0] =	vst.idx.msk $0xffff, v2  }
0x12e: {  	v2 =	vld [tilespmem:$0x590];
	_ =	sdelay $0x6  }
0x12f: {  	v3 =	vld [tilespmem:$0x190];
	v4 =	vshll.u32 v2, $0xA;
	v5 =	vshll.u32 v2, $0x7  }
0x130: {  	v4 =	vand.u32 $0xFFFFE000, v4;
	v5 =	vand.u32 $0x380, v5;
	v2 =	vld.idx.msk [tilespmem:v2+s11+$0x0], $0xffff  }
0x131: {  	v4 =	vor.u32 v5, v4  }
0x132: {  	v4 =	vor.u32 v26, v4;
	_ =	sdelay $0x2  }
0x133: {  	v2 =	vmul.f32 v2, v3;
	_ =	sdelay $0x1  }
0x134: {  	[tilespmem:v4+s12+$0x0] =	vst.idx.msk $0xffff, v2  }
0x135: {  	v2 =	vld [tilespmem:$0x5A0];
	_ =	sdelay $0x6  }
0x136: {  	v3 =	vld [tilespmem:$0x1A0];
	v4 =	vshll.u32 v2, $0xA;
	v5 =	vshll.u32 v2, $0x7  }
0x137: {  	v4 =	vand.u32 $0xFFFFE000, v4;
	v5 =	vand.u32 $0x380, v5;
	v2 =	vld.idx.msk [tilespmem:v2+s11+$0x0], $0xffff  }
0x138: {  	v4 =	vor.u32 v5, v4  }
0x139: {  	v4 =	vor.u32 v27, v4;
	_ =	sdelay $0x2  }
0x13a: {  	v2 =	vmul.f32 v2, v3;
	_ =	sdelay $0x1  }
0x13b: {  	[tilespmem:v4+s12+$0x0] =	vst.idx.msk $0xffff, v2  }
0x13c: {  	v2 =	vld [tilespmem:$0x5B0];
	_ =	sdelay $0x6  }
0x13d: {  	v3 =	vld [tilespmem:$0x1B0];
	v4 =	vshll.u32 v2, $0xA;
	v5 =	vshll.u32 v2, $0x7  }
0x13e: {  	v4 =	vand.u32 $0xFFFFE000, v4;
	v5 =	vand.u32 $0x380, v5;
	v2 =	vld.idx.msk [tilespmem:v2+s11+$0x0], $0xffff  }
0x13f: {  	v4 =	vor.u32 v5, v4  }
0x140: {  	v4 =	vor.u32 v28, v4;
	_ =	sdelay $0x2  }
0x141: {  	v2 =	vmul.f32 v2, v3;
	_ =	sdelay $0x1  }
0x142: {  	[tilespmem:v4+s12+$0x0] =	vst.idx.msk $0xffff, v2  }
0x143: {  	v2 =	vld [tilespmem:$0x5C0];
	_ =	sdelay $0x6  }
0x144: {  	v3 =	vld [tilespmem:$0x1C0];
	v4 =	vshll.u32 v2, $0xA;
	v5 =	vshll.u32 v2, $0x7  }
0x145: {  	v4 =	vand.u32 $0xFFFFE000, v4;
	v5 =	vand.u32 $0x380, v5;
	v2 =	vld.idx.msk [tilespmem:v2+s11+$0x0], $0xffff  }
0x146: {  	v4 =	vor.u32 v5, v4  }
0x147: {  	v4 =	vor.u32 v29, v4;
	_ =	sdelay $0x2  }
0x148: {  	v2 =	vmul.f32 v2, v3;
	_ =	sdelay $0x1  }
0x149: {  	[tilespmem:v4+s12+$0x0] =	vst.idx.msk $0xffff, v2  }
0x14a: {  	v2 =	vld [tilespmem:$0x5D0];
	_ =	sdelay $0x6  }
0x14b: {  	v3 =	vld [tilespmem:$0x1D0];
	v4 =	vshll.u32 v2, $0xA;
	v5 =	vshll.u32 v2, $0x7  }
0x14c: {  	v4 =	vand.u32 $0xFFFFE000, v4;
	v5 =	vand.u32 $0x380, v5;
	v2 =	vld.idx.msk [tilespmem:v2+s11+$0x0], $0xffff  }
0x14d: {  	v4 =	vor.u32 v5, v4  }
0x14e: {  	v4 =	vor.u32 v30, v4;
	_ =	sdelay $0x2  }
0x14f: {  	v2 =	vmul.f32 v2, v3;
	_ =	sdelay $0x1  }
0x150: {  	[tilespmem:v4+s12+$0x0] =	vst.idx.msk $0xffff, v2  }
0x151: {  	v2 =	vld [tilespmem:$0x5E0];
	_ =	sdelay $0x6  }
0x152: {  	v3 =	vld [tilespmem:$0x1E0];
	v4 =	vshll.u32 v2, $0xA;
	v5 =	vshll.u32 v2, $0x7  }
0x153: {  	v4 =	vand.u32 $0xFFFFE000, v4;
	v5 =	vand.u32 $0x380, v5;
	v2 =	vld.idx.msk [tilespmem:v2+s11+$0x0], $0xffff  }
0x154: {  	v4 =	vor.u32 v5, v4  }
0x155: {  	v4 =	vor.u32 v31, v4;
	_ =	sdelay $0x2  }
0x156: {  	v2 =	vmul.f32 v2, v3;
	_ =	sdelay $0x1  }
0x157: {  	[tilespmem:v4+s12+$0x0] =	vst.idx.msk $0xffff, v2  }
0x158: {  	v2 =	vld [tilespmem:$0x5F0];
	_ =	sdelay $0x6  }
0x159: {  	v3 =	vld [tilespmem:$0x1F0];
	v4 =	vshll.u32 v2, $0xA;
	v5 =	vshll.u32 v2, $0x7  }
0x15a: {  	v4 =	vand.u32 $0xFFFFE000, v4;
	v5 =	vand.u32 $0x380, v5;
	v2 =	vld.idx.msk [tilespmem:v2+s11+$0x0], $0xffff  }
0x15b: {  	v4 =	vor.u32 v5, v4  }
0x15c: {  	v4 =	vor.u32 v32, v4;
	_ =	sdelay $0x2  }
0x15d: {  	v2 =	vmul.f32 v2, v3;
	_ =	sdelay $0x1  }
0x15e: {  	[tilespmem:v4+s12+$0x0] =	vst.idx.msk $0xffff, v2  }
0x15f: {  	v2 =	vld [tilespmem:$0x600];
	_ =	sdelay $0x6  }
0x160: {  	v3 =	vld [tilespmem:$0x200];
	v4 =	vshll.u32 v2, $0xA;
	v5 =	vshll.u32 v2, $0x7  }
0x161: {  	v4 =	vand.u32 $0xFFFFE000, v4;
	v5 =	vand.u32 $0x380, v5;
	v2 =	vld.idx.msk [tilespmem:v2+s11+$0x0], $0xffff  }
0x162: {  	v4 =	vor.u32 v5, v4  }
0x163: {  	v4 =	vor.u32 v33, v4;
	_ =	sdelay $0x2  }
0x164: {  	v2 =	vmul.f32 v2, v3;
	_ =	sdelay $0x1  }
0x165: {  	[tilespmem:v4+s12+$0x0] =	vst.idx.msk $0xffff, v2  }
0x166: {  	v2 =	vld [tilespmem:$0x610];
	_ =	sdelay $0x6  }
0x167: {  	v3 =	vld [tilespmem:$0x210];
	v4 =	vshll.u32 v2, $0xA;
	v5 =	vshll.u32 v2, $0x7  }
0x168: {  	v4 =	vand.u32 $0xFFFFE000, v4;
	v5 =	vand.u32 $0x380, v5;
	v2 =	vld.idx.msk [tilespmem:v2+s11+$0x0], $0xffff  }
0x169: {  	v4 =	vor.u32 v5, v4  }
0x16a: {  	v4 =	vor.u32 v34, v4;
	_ =	sdelay $0x2  }
0x16b: {  	v2 =	vmul.f32 v2, v3;
	_ =	sdelay $0x1  }
0x16c: {  	[tilespmem:v4+s12+$0x0] =	vst.idx.msk $0xffff, v2  }
0x16d: {  	v2 =	vld [tilespmem:$0x620];
	_ =	sdelay $0x6  }
0x16e: {  	v3 =	vld [tilespmem:$0x220];
	v4 =	vshll.u32 v2, $0xA;
	v5 =	vshll.u32 v2, $0x7  }
0x16f: {  	v4 =	vand.u32 $0xFFFFE000, v4;
	v5 =	vand.u32 $0x380, v5;
	v2 =	vld.idx.msk [tilespmem:v2+s11+$0x0], $0xffff  }
0x170: {  	v4 =	vor.u32 v5, v4  }
0x171: {  	v4 =	vor.u32 v35, v4;
	_ =	sdelay $0x2  }
0x172: {  	v2 =	vmul.f32 v2, v3;
	_ =	sdelay $0x1  }
0x173: {  	[tilespmem:v4+s12+$0x0] =	vst.idx.msk $0xffff, v2  }
0x174: {  	v2 =	vld [tilespmem:$0x630];
	_ =	sdelay $0x6  }
0x175: {  	v3 =	vld [tilespmem:$0x230];
	v4 =	vshll.u32 v2, $0xA;
	v5 =	vshll.u32 v2, $0x7  }
0x176: {  	v4 =	vand.u32 $0xFFFFE000, v4;
	v5 =	vand.u32 $0x380, v5;
	v2 =	vld.idx.msk [tilespmem:v2+s11+$0x0], $0xffff  }
0x177: {  	v4 =	vor.u32 v5, v4  }
0x178: {  	v4 =	vor.u32 v36, v4;
	_ =	sdelay $0x2  }
0x179: {  	v2 =	vmul.f32 v2, v3;
	_ =	sdelay $0x1  }
0x17a: {  	[tilespmem:v4+s12+$0x0] =	vst.idx.msk $0xffff, v2  }
0x17b: {  	v2 =	vld [tilespmem:$0x640];
	_ =	sdelay $0x6  }
0x17c: {  	v3 =	vld [tilespmem:$0x240];
	v4 =	vshll.u32 v2, $0xA;
	v5 =	vshll.u32 v2, $0x7  }
0x17d: {  	v4 =	vand.u32 $0xFFFFE000, v4;
	v5 =	vand.u32 $0x380, v5;
	v2 =	vld.idx.msk [tilespmem:v2+s11+$0x0], $0xffff  }
0x17e: {  	v4 =	vor.u32 v5, v4  }
0x17f: {  	v4 =	vor.u32 v37, v4;
	_ =	sdelay $0x2  }
0x180: {  	v2 =	vmul.f32 v2, v3;
	_ =	sdelay $0x1  }
0x181: {  	[tilespmem:v4+s12+$0x0] =	vst.idx.msk $0xffff, v2  }
0x182: {  	v2 =	vld [tilespmem:$0x650];
	_ =	sdelay $0x6  }
0x183: {  	v3 =	vld [tilespmem:$0x250];
	v4 =	vshll.u32 v2, $0xA;
	v5 =	vshll.u32 v2, $0x7  }
0x184: {  	v4 =	vand.u32 $0xFFFFE000, v4;
	v5 =	vand.u32 $0x380, v5;
	v2 =	vld.idx.msk [tilespmem:v2+s11+$0x0], $0xffff  }
0x185: {  	v4 =	vor.u32 v5, v4  }
0x186: {  	v4 =	vor.u32 v38, v4;
	_ =	sdelay $0x2  }
0x187: {  	v2 =	vmul.f32 v2, v3;
	_ =	sdelay $0x1  }
0x188: {  	[tilespmem:v4+s12+$0x0] =	vst.idx.msk $0xffff, v2  }
0x189: {  	v2 =	vld [tilespmem:$0x660];
	_ =	sdelay $0x6  }
0x18a: {  	v3 =	vld [tilespmem:$0x260];
	v4 =	vshll.u32 v2, $0xA;
	v5 =	vshll.u32 v2, $0x7  }
0x18b: {  	v4 =	vand.u32 $0xFFFFE000, v4;
	v5 =	vand.u32 $0x380, v5;
	v2 =	vld.idx.msk [tilespmem:v2+s11+$0x0], $0xffff  }
0x18c: {  	v4 =	vor.u32 v5, v4  }
0x18d: {  	v4 =	vor.u32 v39, v4;
	_ =	sdelay $0x2  }
0x18e: {  	v2 =	vmul.f32 v2, v3;
	_ =	sdelay $0x1  }
0x18f: {  	[tilespmem:v4+s12+$0x0] =	vst.idx.msk $0xffff, v2  }
0x190: {  	v2 =	vld [tilespmem:$0x670];
	_ =	sdelay $0x6  }
0x191: {  	v3 =	vld [tilespmem:$0x270];
	v4 =	vshll.u32 v2, $0xA;
	v5 =	vshll.u32 v2, $0x7  }
0x192: {  	v4 =	vand.u32 $0xFFFFE000, v4;
	v5 =	vand.u32 $0x380, v5;
	v2 =	vld.idx.msk [tilespmem:v2+s11+$0x0], $0xffff  }
0x193: {  	v4 =	vor.u32 v5, v4  }
0x194: {  	v4 =	vor.u32 v40, v4;
	_ =	sdelay $0x2  }
0x195: {  	v2 =	vmul.f32 v2, v3;
	_ =	sdelay $0x1  }
0x196: {  	[tilespmem:v4+s12+$0x0] =	vst.idx.msk $0xffff, v2  }
0x197: {  	v2 =	vld [tilespmem:$0x680];
	_ =	sdelay $0x6  }
0x198: {  	v3 =	vld [tilespmem:$0x280];
	v4 =	vshll.u32 v2, $0xA;
	v5 =	vshll.u32 v2, $0x7  }
0x199: {  	v4 =	vand.u32 $0xFFFFE000, v4;
	v5 =	vand.u32 $0x380, v5;
	v2 =	vld.idx.msk [tilespmem:v2+s11+$0x0], $0xffff  }
0x19a: {  	v4 =	vor.u32 v5, v4  }
0x19b: {  	v4 =	vor.u32 v41, v4;
	_ =	sdelay $0x2  }
0x19c: {  	v2 =	vmul.f32 v2, v3;
	_ =	sdelay $0x1  }
0x19d: {  	[tilespmem:v4+s12+$0x0] =	vst.idx.msk $0xffff, v2  }
0x19e: {  	v2 =	vld [tilespmem:$0x690];
	_ =	sdelay $0x6  }
0x19f: {  	v3 =	vld [tilespmem:$0x290];
	v4 =	vshll.u32 v2, $0xA;
	v5 =	vshll.u32 v2, $0x7  }
0x1a0: {  	v4 =	vand.u32 $0xFFFFE000, v4;
	v5 =	vand.u32 $0x380, v5;
	v2 =	vld.idx.msk [tilespmem:v2+s11+$0x0], $0xffff  }
0x1a1: {  	v4 =	vor.u32 v5, v4  }
0x1a2: {  	v4 =	vor.u32 v42, v4;
	_ =	sdelay $0x2  }
0x1a3: {  	v2 =	vmul.f32 v2, v3;
	_ =	sdelay $0x1  }
0x1a4: {  	[tilespmem:v4+s12+$0x0] =	vst.idx.msk $0xffff, v2  }
0x1a5: {  	v2 =	vld [tilespmem:$0x6A0];
	_ =	sdelay $0x6  }
0x1a6: {  	v3 =	vld [tilespmem:$0x2A0];
	v4 =	vshll.u32 v2, $0xA;
	v5 =	vshll.u32 v2, $0x7  }
0x1a7: {  	v4 =	vand.u32 $0xFFFFE000, v4;
	v5 =	vand.u32 $0x380, v5;
	v2 =	vld.idx.msk [tilespmem:v2+s11+$0x0], $0xffff  }
0x1a8: {  	v4 =	vor.u32 v5, v4  }
0x1a9: {  	v4 =	vor.u32 v43, v4;
	_ =	sdelay $0x2  }
0x1aa: {  	v2 =	vmul.f32 v2, v3;
	_ =	sdelay $0x1  }
0x1ab: {  	[tilespmem:v4+s12+$0x0] =	vst.idx.msk $0xffff, v2  }
0x1ac: {  	v2 =	vld [tilespmem:$0x6B0];
	_ =	sdelay $0x6  }
0x1ad: {  	v3 =	vld [tilespmem:$0x2B0];
	v4 =	vshll.u32 v2, $0xA;
	v5 =	vshll.u32 v2, $0x7  }
0x1ae: {  	v4 =	vand.u32 $0xFFFFE000, v4;
	v5 =	vand.u32 $0x380, v5;
	v2 =	vld.idx.msk [tilespmem:v2+s11+$0x0], $0xffff  }
0x1af: {  	v4 =	vor.u32 v5, v4  }
0x1b0: {  	v4 =	vor.u32 v44, v4;
	_ =	sdelay $0x2  }
0x1b1: {  	v2 =	vmul.f32 v2, v3;
	_ =	sdelay $0x1  }
0x1b2: {  	[tilespmem:v4+s12+$0x0] =	vst.idx.msk $0xffff, v2  }
0x1b3: {  	v2 =	vld [tilespmem:$0x6C0];
	_ =	sdelay $0x6  }
0x1b4: {  	v3 =	vld [tilespmem:$0x2C0];
	v4 =	vshll.u32 v2, $0xA;
	v5 =	vshll.u32 v2, $0x7  }
0x1b5: {  	v4 =	vand.u32 $0xFFFFE000, v4;
	v5 =	vand.u32 $0x380, v5;
	v2 =	vld.idx.msk [tilespmem:v2+s11+$0x0], $0xffff  }
0x1b6: {  	v4 =	vor.u32 v5, v4  }
0x1b7: {  	v4 =	vor.u32 v45, v4;
	_ =	sdelay $0x2  }
0x1b8: {  	v2 =	vmul.f32 v2, v3;
	_ =	sdelay $0x1  }
0x1b9: {  	[tilespmem:v4+s12+$0x0] =	vst.idx.msk $0xffff, v2  }
0x1ba: {  	v2 =	vld [tilespmem:$0x6D0];
	_ =	sdelay $0x6  }
0x1bb: {  	v3 =	vld [tilespmem:$0x2D0];
	v4 =	vshll.u32 v2, $0xA;
	v5 =	vshll.u32 v2, $0x7  }
0x1bc: {  	v4 =	vand.u32 $0xFFFFE000, v4;
	v5 =	vand.u32 $0x380, v5;
	v2 =	vld.idx.msk [tilespmem:v2+s11+$0x0], $0xffff  }
0x1bd: {  	v4 =	vor.u32 v5, v4  }
0x1be: {  	v4 =	vor.u32 v46, v4;
	_ =	sdelay $0x2  }
0x1bf: {  	v2 =	vmul.f32 v2, v3;
	_ =	sdelay $0x1  }
0x1c0: {  	[tilespmem:v4+s12+$0x0] =	vst.idx.msk $0xffff, v2  }
0x1c1: {  	v2 =	vld [tilespmem:$0x6E0];
	_ =	sdelay $0x6  }
0x1c2: {  	v3 =	vld [tilespmem:$0x2E0];
	v4 =	vshll.u32 v2, $0xA;
	v5 =	vshll.u32 v2, $0x7  }
0x1c3: {  	v4 =	vand.u32 $0xFFFFE000, v4;
	v5 =	vand.u32 $0x380, v5;
	v2 =	vld.idx.msk [tilespmem:v2+s11+$0x0], $0xffff  }
0x1c4: {  	v4 =	vor.u32 v5, v4  }
0x1c5: {  	v4 =	vor.u32 v47, v4;
	_ =	sdelay $0x2  }
0x1c6: {  	v2 =	vmul.f32 v2, v3;
	_ =	sdelay $0x1  }
0x1c7: {  	[tilespmem:v4+s12+$0x0] =	vst.idx.msk $0xffff, v2  }
0x1c8: {  	v2 =	vld [tilespmem:$0x6F0];
	_ =	sdelay $0x6  }
0x1c9: {  	v3 =	vld [tilespmem:$0x2F0];
	v4 =	vshll.u32 v2, $0xA;
	v5 =	vshll.u32 v2, $0x7  }
0x1ca: {  	v4 =	vand.u32 $0xFFFFE000, v4;
	v5 =	vand.u32 $0x380, v5;
	v2 =	vld.idx.msk [tilespmem:v2+s11+$0x0], $0xffff  }
0x1cb: {  	v4 =	vor.u32 v5, v4  }
0x1cc: {  	v4 =	vor.u32 v48, v4;
	_ =	sdelay $0x2  }
0x1cd: {  	v2 =	vmul.f32 v2, v3;
	_ =	sdelay $0x1  }
0x1ce: {  	[tilespmem:v4+s12+$0x0] =	vst.idx.msk $0xffff, v2  }
0x1cf: {  	v2 =	vld [tilespmem:$0x700];
	_ =	sdelay $0x6  }
0x1d0: {  	v3 =	vld [tilespmem:$0x300];
	v4 =	vshll.u32 v2, $0xA;
	v5 =	vshll.u32 v2, $0x7  }
0x1d1: {  	v4 =	vand.u32 $0xFFFFE000, v4;
	v5 =	vand.u32 $0x380, v5;
	v2 =	vld.idx.msk [tilespmem:v2+s11+$0x0], $0xffff  }
0x1d2: {  	v4 =	vor.u32 v5, v4  }
0x1d3: {  	v4 =	vor.u32 v49, v4;
	_ =	sdelay $0x2  }
0x1d4: {  	v2 =	vmul.f32 v2, v3;
	_ =	sdelay $0x1  }
0x1d5: {  	[tilespmem:v4+s12+$0x0] =	vst.idx.msk $0xffff, v2  }
0x1d6: {  	v2 =	vld [tilespmem:$0x710];
	_ =	sdelay $0x6  }
0x1d7: {  	v3 =	vld [tilespmem:$0x310];
	v4 =	vshll.u32 v2, $0xA;
	v5 =	vshll.u32 v2, $0x7  }
0x1d8: {  	v4 =	vand.u32 $0xFFFFE000, v4;
	v5 =	vand.u32 $0x380, v5;
	v2 =	vld.idx.msk [tilespmem:v2+s11+$0x0], $0xffff  }
0x1d9: {  	v4 =	vor.u32 v5, v4  }
0x1da: {  	v4 =	vor.u32 v50, v4;
	_ =	sdelay $0x2  }
0x1db: {  	v2 =	vmul.f32 v2, v3;
	_ =	sdelay $0x1  }
0x1dc: {  	[tilespmem:v4+s12+$0x0] =	vst.idx.msk $0xffff, v2  }
0x1dd: {  	v2 =	vld [tilespmem:$0x720];
	_ =	sdelay $0x6  }
0x1de: {  	v3 =	vld [tilespmem:$0x320];
	v4 =	vshll.u32 v2, $0xA;
	v5 =	vshll.u32 v2, $0x7  }
0x1df: {  	v4 =	vand.u32 $0xFFFFE000, v4;
	v5 =	vand.u32 $0x380, v5;
	v2 =	vld.idx.msk [tilespmem:v2+s11+$0x0], $0xffff  }
0x1e0: {  	v4 =	vor.u32 v5, v4  }
0x1e1: {  	v4 =	vor.u32 v51, v4;
	_ =	sdelay $0x2  }
0x1e2: {  	v2 =	vmul.f32 v2, v3;
	_ =	sdelay $0x1  }
0x1e3: {  	[tilespmem:v4+s12+$0x0] =	vst.idx.msk $0xffff, v2  }
0x1e4: {  	v2 =	vld [tilespmem:$0x730];
	_ =	sdelay $0x6  }
0x1e5: {  	v3 =	vld [tilespmem:$0x330];
	v4 =	vshll.u32 v2, $0xA;
	v5 =	vshll.u32 v2, $0x7  }
0x1e6: {  	v4 =	vand.u32 $0xFFFFE000, v4;
	v5 =	vand.u32 $0x380, v5;
	v2 =	vld.idx.msk [tilespmem:v2+s11+$0x0], $0xffff  }
0x1e7: {  	v4 =	vor.u32 v5, v4  }
0x1e8: {  	v4 =	vor.u32 v52, v4;
	_ =	sdelay $0x2  }
0x1e9: {  	v2 =	vmul.f32 v2, v3;
	_ =	sdelay $0x1  }
0x1ea: {  	[tilespmem:v4+s12+$0x0] =	vst.idx.msk $0xffff, v2  }
0x1eb: {  	v2 =	vld [tilespmem:$0x740];
	_ =	sdelay $0x6  }
0x1ec: {  	v3 =	vld [tilespmem:$0x340];
	v4 =	vshll.u32 v2, $0xA;
	v5 =	vshll.u32 v2, $0x7  }
0x1ed: {  	v4 =	vand.u32 $0xFFFFE000, v4;
	v5 =	vand.u32 $0x380, v5;
	v2 =	vld.idx.msk [tilespmem:v2+s11+$0x0], $0xffff  }
0x1ee: {  	v4 =	vor.u32 v5, v4  }
0x1ef: {  	v4 =	vor.u32 v53, v4;
	_ =	sdelay $0x2  }
0x1f0: {  	v2 =	vmul.f32 v2, v3;
	_ =	sdelay $0x1  }
0x1f1: {  	[tilespmem:v4+s12+$0x0] =	vst.idx.msk $0xffff, v2  }
0x1f2: {  	v2 =	vld [tilespmem:$0x750];
	_ =	sdelay $0x6  }
0x1f3: {  	v3 =	vld [tilespmem:$0x350];
	v4 =	vshll.u32 v2, $0xA;
	v5 =	vshll.u32 v2, $0x7  }
0x1f4: {  	v4 =	vand.u32 $0xFFFFE000, v4;
	v5 =	vand.u32 $0x380, v5;
	v2 =	vld.idx.msk [tilespmem:v2+s11+$0x0], $0xffff  }
0x1f5: {  	v4 =	vor.u32 v5, v4  }
0x1f6: {  	v4 =	vor.u32 v54, v4;
	_ =	sdelay $0x2  }
0x1f7: {  	v2 =	vmul.f32 v2, v3;
	_ =	sdelay $0x1  }
0x1f8: {  	[tilespmem:v4+s12+$0x0] =	vst.idx.msk $0xffff, v2  }
0x1f9: {  	v2 =	vld [tilespmem:$0x760];
	_ =	sdelay $0x6  }
0x1fa: {  	v3 =	vld [tilespmem:$0x360];
	v4 =	vshll.u32 v2, $0xA;
	v5 =	vshll.u32 v2, $0x7  }
0x1fb: {  	v4 =	vand.u32 $0xFFFFE000, v4;
	v5 =	vand.u32 $0x380, v5;
	v2 =	vld.idx.msk [tilespmem:v2+s11+$0x0], $0xffff  }
0x1fc: {  	v4 =	vor.u32 v5, v4  }
0x1fd: {  	v4 =	vor.u32 v55, v4;
	_ =	sdelay $0x2  }
0x1fe: {  	v2 =	vmul.f32 v2, v3;
	_ =	sdelay $0x1  }
0x1ff: {  	[tilespmem:v4+s12+$0x0] =	vst.idx.msk $0xffff, v2  }
0x200: {  	v2 =	vld [tilespmem:$0x770];
	_ =	sdelay $0x6  }
0x201: {  	v3 =	vld [tilespmem:$0x370];
	v4 =	vshll.u32 v2, $0xA;
	v5 =	vshll.u32 v2, $0x7  }
0x202: {  	v4 =	vand.u32 $0xFFFFE000, v4;
	v5 =	vand.u32 $0x380, v5;
	v2 =	vld.idx.msk [tilespmem:v2+s11+$0x0], $0xffff  }
0x203: {  	v4 =	vor.u32 v5, v4  }
0x204: {  	v4 =	vor.u32 v56, v4;
	_ =	sdelay $0x2  }
0x205: {  	v2 =	vmul.f32 v2, v3;
	_ =	sdelay $0x1  }
0x206: {  	[tilespmem:v4+s12+$0x0] =	vst.idx.msk $0xffff, v2  }
0x207: {  	v2 =	vld [tilespmem:$0x780];
	_ =	sdelay $0x6  }
0x208: {  	v3 =	vld [tilespmem:$0x380];
	v4 =	vshll.u32 v2, $0x7  }
0x209: {  	v4 =	vand.u32 $0x380, v4;
	v5 =	vld.idx.msk [tilespmem:v2+s11+$0x0], $0xffff;
	v2 =	vshll.u32 v2, $0xA  }
0x20a: {  	v2 =	vor.u32 v4, v2  }
0x20b: {  	v2 =	vor.u32 v57, v2;
	_ =	sdelay $0x2  }
0x20c: {  	v3 =	vmul.f32 v5, v3;
	_ =	sdelay $0x1  }
0x20d: {  	[tilespmem:v2+s12+$0x0] =	vst.idx.msk $0xffff, v3  }
0x20e: {  	v2 =	vld [tilespmem:$0x790];
	_ =	sdelay $0x6  }
0x20f: {  	v3 =	vld [tilespmem:$0x390];
	v4 =	vshll.u32 v2, $0x7  }
0x210: {  	v4 =	vand.u32 $0x380, v4;
	v5 =	vld.idx.msk [tilespmem:v2+s11+$0x0], $0xffff;
	v2 =	vshll.u32 v2, $0xA  }
0x211: {  	v2 =	vor.u32 v4, v2  }
0x212: {  	v2 =	vor.u32 v58, v2;
	_ =	sdelay $0x2  }
0x213: {  	v3 =	vmul.f32 v5, v3;
	_ =	sdelay $0x1  }
0x214: {  	[tilespmem:v2+s12+$0x0] =	vst.idx.msk $0xffff, v3  }
0x215: {  	v2 =	vld [tilespmem:$0x7A0];
	_ =	sdelay $0x6  }
0x216: {  	v3 =	vld [tilespmem:$0x3A0];
	v4 =	vshll.u32 v2, $0x7  }
0x217: {  	v4 =	vand.u32 $0x380, v4;
	v5 =	vld.idx.msk [tilespmem:v2+s11+$0x0], $0xffff;
	v2 =	vshll.u32 v2, $0xA  }
0x218: {  	v2 =	vor.u32 v4, v2  }
0x219: {  	v2 =	vor.u32 v59, v2;
	_ =	sdelay $0x2  }
0x21a: {  	v3 =	vmul.f32 v5, v3;
	_ =	sdelay $0x1  }
0x21b: {  	[tilespmem:v2+s12+$0x0] =	vst.idx.msk $0xffff, v3  }
0x21c: {  	v2 =	vld [tilespmem:$0x7B0];
	_ =	sdelay $0x6  }
0x21d: {  	v3 =	vld [tilespmem:$0x3B0];
	v4 =	vshll.u32 v2, $0x7  }
0x21e: {  	v4 =	vand.u32 $0x380, v4;
	v5 =	vld.idx.msk [tilespmem:v2+s11+$0x0], $0xffff;
	v2 =	vshll.u32 v2, $0xA  }
0x21f: {  	v2 =	vor.u32 v4, v2  }
0x220: {  	v2 =	vor.u32 v60, v2;
	_ =	sdelay $0x2  }
0x221: {  	v3 =	vmul.f32 v5, v3;
	_ =	sdelay $0x1  }
0x222: {  	[tilespmem:v2+s12+$0x0] =	vst.idx.msk $0xffff, v3  }
0x223: {  	v2 =	vld [tilespmem:$0x7C0];
	_ =	sdelay $0x6  }
0x224: {  	v3 =	vld [tilespmem:$0x3C0];
	v4 =	vshll.u32 v2, $0x7  }
0x225: {  	v4 =	vand.u32 $0x380, v4;
	v5 =	vld.idx.msk [tilespmem:v2+s11+$0x0], $0xffff;
	v2 =	vshll.u32 v2, $0xA  }
0x226: {  	v2 =	vor.u32 v4, v2  }
0x227: {  	v2 =	vor.u32 v61, v2;
	_ =	sdelay $0x2  }
0x228: {  	v3 =	vmul.f32 v5, v3;
	_ =	sdelay $0x1  }
0x229: {  	[tilespmem:v2+s12+$0x0] =	vst.idx.msk $0xffff, v3  }
0x22a: {  	v2 =	vld [tilespmem:$0x7D0];
	_ =	sdelay $0x6  }
0x22b: {  	v3 =	vld [tilespmem:$0x3D0];
	v4 =	vshll.u32 v2, $0x7  }
0x22c: {  	v4 =	vand.u32 $0x380, v4;
	v5 =	vld.idx.msk [tilespmem:v2+s11+$0x0], $0xffff;
	v2 =	vshll.u32 v2, $0xA  }
0x22d: {  	v2 =	vor.u32 v4, v2  }
0x22e: {  	v2 =	vor.u32 v62, v2;
	_ =	sdelay $0x2  }
0x22f: {  	v3 =	vmul.f32 v5, v3;
	_ =	sdelay $0x1  }
0x230: {  	[tilespmem:v2+s12+$0x0] =	vst.idx.msk $0xffff, v3  }
0x231: {  	v2 =	vld [tilespmem:$0x7E0];
	_ =	sdelay $0x6  }
0x232: {  	v3 =	vld [tilespmem:$0x3E0];
	v4 =	vshll.u32 v2, $0x7  }
0x233: {  	v4 =	vand.u32 $0x380, v4;
	v5 =	vld.idx.msk [tilespmem:v2+s11+$0x0], $0xffff;
	v2 =	vshll.u32 v2, $0xA  }
0x234: {  	v2 =	vor.u32 v4, v2  }
0x235: {  	v2 =	vor.u32 v63, v2;
	_ =	sdelay $0x2  }
0x236: {  	v3 =	vmul.f32 v5, v3;
	_ =	sdelay $0x1  }
0x237: {  	[tilespmem:v2+s12+$0x0] =	vst.idx.msk $0xffff, v3  }
0x238: {  	v2 =	vld [tilespmem:$0x7F0];
	_ =	sdelay $0x6  }
0x239: {  	v3 =	vld [tilespmem:$0x3F0];
	v4 =	vshll.u32 v2, $0x7  }
0x23a: {  	v4 =	vand.u32 $0x380, v4;
	v5 =	vld.idx.msk [tilespmem:v2+s11+$0x0], $0xffff;
	v2 =	vshll.u32 v2, $0xA  }
0x23b: {  	v2 =	vor.u32 v4, v2;
	v4 =	vor.u32 $0x1C70, v0  }
0x23c: {  	v2 =	vor.u32 v4, v2;
	_ =	sdelay $0x2  }
0x23d: {  	s16 =	sadd.s32 $0x1, s16;
	v3 =	vmul.f32 v5, v3  }
0x23e: {  	p0 =	sne.s32 s16, s7  }
.Ltmp1:
0x23f: {  	[tilespmem:v2+s12+$0x0] =	vst.idx.msk $0xffff, v3;
	(pc) =	sbr.rel @p0 .LBB2_1-.Ltmp1, $4  }
0x240: {  	[hbm4b:s6+s13] =	stream.strided.scatter [tilespmem:s12], [sflag:$0x1], $0x10000, s14, s13, $0x38;
	[tilespmem:$0x10900] =	vst v63  }
0x241: {  	_ =	swait.ge [sflag:s15], $0x10000  }
0x242: {  	[sflag:s15] =	ssyncset.done $0x0  }
0x243: {  	[sflag:s15] =	ssyncadd.s32 $0xFFFF0000  }
0x244: {  	_ =	sfence.sel $0x180000  }
0x245: {  	[bflag:$0x0] =	sbarrier.arrive $0xFFFF  }
0x246: {  	p0 =	sne.s32 s0, $0x0;
	_ =	strace $0x90000047  }
0x247: {  	s0 =	sadd.s32 @!p0 $0x100000, s1;
	[bflag:$0x2] =	sbarrier.arrive $0xFFFF  }
0x248: {  	[sflag:s0] =	ssyncadd.tile.s32 @!p0 $0x1;
	_ =	shalt  }
.Lfunc_end2:
_tile_overlayer_lowered:
.L_overlay_start_2:
0x249: {  	(tag) =	ssettag $0x2  }
0x24a: {  	s0 =	rddreg [dreg:$0x0];
	s2 =	stileid.u32  }
0x24b: {  	s1 =	rddreg [dreg:$0x1];
	p0 =	sne.s32 s2, $0x0  }
0x24c: {  	s3 =	rddreg [dreg:$0x2];
	[bflag:$0x3] =	sbarrier.arrive $0xFFFF;
	s2 =	simm.s32 @!p0 $0x1C02  }
0x24d: {  	[timem:s3], [sflag:s2] =	dma.local @!p0 [hbm:s0], s1  }
0x24e: {  	s0 =	simm.s32 @!p0 $0x2  }
0x24f: {  	_ =	swait.ge @!p0 [sflag:s0], s1  }
0x250: {  	s1 =	ssub.s32 @!p0 $0x0, s1;
	[sflag:s0] =	ssyncset.done @!p0 $0x0  }
0x251: {  	[sflag:s0] =	ssyncadd.s32 @!p0 s1  }
0x252: {  	[bflag:$0x3] =	sbarrier.arrive $0xFFFF  }
0x253: {  	_ =	shalt  }

</sc_bundles>
